<compile_context>
chip_gen: v7x
topology: tpu7x:2x2x1
jax: 0.10.2.dev20260603
libtpu: 0.0.44.dev20260713+nightly
codegen_flags: <defaults>
</compile_context>

<pallas_src>
import functools

import jax
import jax.numpy as jnp
from jax.experimental import pallas as pl
from jax.experimental.pallas import tpu as pltpu

K = 32
BLOCK = 256
JACOBI_SWEEPS = 6
RISK_A = 1.2e-3
RISK_B = 0.012
RISK_GS = 0.01
M_CAP = 10240


def _knn_kernel(vrows_ref, vt_ref, dx_ref, dy_ref, dz_ref, d2_ref, *, n,
                block):
    vb = vrows_ref[0]
    vt = vt_ref[0]

    vb0 = vb[:, 0:1]
    vb1 = vb[:, 1:2]
    vb2 = vb[:, 2:3]
    vt0 = vt[0:1, :]
    vt1 = vt[1:2, :]
    vt2 = vt[2:3, :]

    sqb = vb0 * vb0 + vb1 * vb1 + vb2 * vb2
    sqf = vt0 * vt0 + vt1 * vt1 + vt2 * vt2
    dot = jnp.dot(vb, vt)
    d2_ref[:, :] = jnp.maximum(sqb + sqf - 2.0 * dot, 0.0)

    lane = jax.lax.broadcasted_iota(jnp.int32, (block, n), 1)
    kiota = jax.lax.broadcasted_iota(jnp.int32, (block, K), 1)
    inf = jnp.float32(jnp.inf)

    def body(j, _):
        d2m = d2_ref[:, :]
        m = jnp.min(d2m, axis=1, keepdims=True)
        idx = jnp.min(jnp.where(d2m == m, lane, n), axis=1, keepdims=True)
        onehot = jnp.where(lane == idx, 1.0, 0.0)
        ncx = jnp.sum(onehot * vt0, axis=1, keepdims=True)
        ncy = jnp.sum(onehot * vt1, axis=1, keepdims=True)
        ncz = jnp.sum(onehot * vt2, axis=1, keepdims=True)
        sel = kiota == j
        dx_ref[0] = jnp.where(sel, ncx - vb0, dx_ref[0])
        dy_ref[0] = jnp.where(sel, ncy - vb1, dy_ref[0])
        dz_ref[0] = jnp.where(sel, ncz - vb2, dz_ref[0])
        d2_ref[:, :] = jnp.where(lane == idx, inf, d2m)
        return _

    jax.lax.fori_loop(0, K, body, None)


def _knn_diffs(vertices, vt, *, n, block):
    nclouds = vertices.shape[0]
    grid = (nclouds, n // block)
    kern = functools.partial(_knn_kernel, n=n, block=block)
    out = jax.ShapeDtypeStruct((nclouds, n, K), jnp.float32)
    spec = pl.BlockSpec((1, block, K), lambda c, b: (c, b, 0))
    return pl.pallas_call(
        kern,
        grid=grid,
        in_specs=[
            pl.BlockSpec((1, block, 3), lambda c, b: (c, b, 0)),
            pl.BlockSpec((1, 3, n), lambda c, b: (c, 0, 0)),
        ],
        out_specs=[spec, spec, spec],
        out_shape=[out, out, out],
        scratch_shapes=[pltpu.VMEM((block, n), jnp.float32)],
        compiler_params=pltpu.CompilerParams(
            dimension_semantics=("parallel", "arbitrary"),
        ),
    )(vertices, vt)


def _jacobi_rotate(A, V, p, q):
    apq = A[p][q]
    app = A[p][p]
    aqq = A[q][q]
    nz = apq != 0.0
    safe_apq = jnp.where(nz, apq, 1.0)
    theta = (aqq - app) / (2.0 * safe_apq)
    t = jnp.sign(theta) / (jnp.abs(theta) + jnp.sqrt(theta * theta + 1.0))
    t = jnp.where(theta == 0.0, 1.0, t)
    t = jnp.where(nz, t, 0.0)
    c = jax.lax.rsqrt(t * t + 1.0)
    s = t * c
    r = 3 - p - q

    A2 = [[A[i][j] for j in range(3)] for i in range(3)]
    A2[p][p] = app - t * apq
    A2[q][q] = aqq + t * apq
    A2[p][q] = jnp.zeros_like(apq)
    A2[q][p] = A2[p][q]
    arp = A[r][p]
    arq = A[r][q]
    A2[r][p] = c * arp - s * arq
    A2[p][r] = A2[r][p]
    A2[r][q] = s * arp + c * arq
    A2[q][r] = A2[r][q]

    V2 = [[V[i][j] for j in range(3)] for i in range(3)]
    for i in range(3):
        vip = V[i][p]
        viq = V[i][q]
        V2[i][p] = c * vip - s * viq
        V2[i][q] = s * vip + c * viq
    return A2, V2


def _eig3x3(cxx, cxy, cxz, cyy, cyz, czz):
    A = [[cxx, cxy, cxz], [cxy, cyy, cyz], [cxz, cyz, czz]]
    one = jnp.ones_like(cxx)
    zero = jnp.zeros_like(cxx)
    V = [[one, zero, zero], [zero, one, zero], [zero, zero, one]]
    for _ in range(JACOBI_SWEEPS):
        for (p, q) in ((0, 1), (0, 2), (1, 2)):
            A, V = _jacobi_rotate(A, V, p, q)
    return (A[0][0], A[1][1], A[2][2]), V


def _frame_kernel(cov_ref, dx_ref, dy_ref, dz_ref, x_ref, z_ref, risk_ref):
    c = cov_ref[0]
    (e0, e1, e2), V = _eig3x3(c[:, 0:1], c[:, 1:2], c[:, 2:3],
                              c[:, 4:5], c[:, 5:6], c[:, 8:9])

    c01 = e0 >= e1
    ea = jnp.where(c01, e0, e1)
    xa = [jnp.where(c01, V[i][0], V[i][1]) for i in range(3)]
    cmax = ea >= e2
    lmax = jnp.where(cmax, ea, e2)
    x = [jnp.where(cmax, xa[i], V[i][2]) for i in range(3)]
    s01 = e0 < e1
    eb = jnp.where(s01, e0, e1)
    za = [jnp.where(s01, V[i][0], V[i][1]) for i in range(3)]
    cmin = eb <= e2
    lmin = jnp.where(cmin, eb, e2)
    z = [jnp.where(cmin, za[i], V[i][2]) for i in range(3)]
    lmid = (e0 + e1 + e2) - lmax - lmin

    xn = jax.lax.rsqrt(x[0] * x[0] + x[1] * x[1] + x[2] * x[2])
    zn = jax.lax.rsqrt(z[0] * z[0] + z[1] * z[1] + z[2] * z[2])
    x = [xi * xn for xi in x]
    z = [zi * zn for zi in z]

    dx = dx_ref[0]
    dy = dy_ref[0]
    dz = dz_ref[0]
    xd = dx * x[0] + dy * x[1] + dz * x[2]
    zd = dx * z[0] + dy * z[1] + dz * z[2]
    sgx = jnp.sign(xd)
    sgz = jnp.sign(zd)
    Sx = jnp.sum(sgx, axis=1, keepdims=True)
    Sz = jnp.sum(sgz, axis=1, keepdims=True)
    sx = jnp.sign(Sx)
    sx = jnp.where(sx == 0.0, 1.0, sx)
    sz = jnp.sign(Sz)
    sz = jnp.where(sz == 0.0, 1.0, sz)
    x = [xi * sx for xi in x]
    z = [zi * sz for zi in z]
    x_ref[0] = jnp.concatenate(x, axis=1)
    z_ref[0] = jnp.concatenate(z, axis=1)

    scale = jnp.maximum(lmax, 1e-12)
    g12 = (lmax - lmid) / scale
    g23 = (lmid - lmin) / scale
    nux = RISK_A / jnp.maximum(g12, 1e-6) + RISK_B
    nuz = RISK_A / jnp.maximum(g23, 1e-6) + RISK_B
    dd = jnp.sqrt(dx * dx + dy * dy + dz * dz + 1e-12)
    zero_diff = (dx == 0.0) & (dy == 0.0) & (dz == 0.0)
    hx = jnp.where(zero_diff, jnp.inf, jnp.abs(xd) / dd)
    hz = jnp.where(zero_diff, jnp.inf, jnp.abs(zd) / dd)
    mx = jnp.floor((jnp.abs(Sx) + 1.0) * 0.5)
    mz = jnp.floor((jnp.abs(Sz) + 1.0) * 0.5)
    cntx = jnp.sum(jnp.where(hx < nux, 1.0, 0.0), axis=1, keepdims=True)
    cntz = jnp.sum(jnp.where(hz < nuz, 1.0, 0.0), axis=1, keepdims=True)
    risky = ((g12 < RISK_GS) | (g23 < RISK_GS)
             | (cntx >= mx) | (cntz >= mz))
    risk_ref[0] = jnp.where(risky, 1.0, 0.0)


def _axes_and_risk(cov9, dx, dy, dz, *, n, block):
    nclouds = cov9.shape[0]
    grid = (nclouds, n // block)
    spec9 = pl.BlockSpec((1, block, 9), lambda c, b: (c, b, 0))
    spec3 = pl.BlockSpec((1, block, 3), lambda c, b: (c, b, 0))
    speck = pl.BlockSpec((1, block, K), lambda c, b: (c, b, 0))
    spec1 = pl.BlockSpec((1, block, 1), lambda c, b: (c, b, 0))
    return pl.pallas_call(
        _frame_kernel,
        grid=grid,
        in_specs=[spec9, speck, speck, speck],
        out_specs=[spec3, spec3, spec1],
        out_shape=[
            jax.ShapeDtypeStruct((nclouds, n, 3), jnp.float32),
            jax.ShapeDtypeStruct((nclouds, n, 3), jnp.float32),
            jax.ShapeDtypeStruct((nclouds, n, 1), jnp.float32),
        ],
        compiler_params=pltpu.CompilerParams(
            dimension_semantics=("parallel", "arbitrary"),
        ),
    )(cov9, dx, dy, dz)


def _cov_per_cloud(d):
    dists = jnp.sqrt(jnp.sum(d * d, axis=-1) + 1e-12)
    r = jnp.max(dists, axis=1, keepdims=True)
    w = jnp.maximum(r - dists, 0.0)
    wsum = jnp.sum(w, axis=1) + 1e-12
    return jnp.einsum('nk,nki,nkj->nij', w, d, d) / wsum[:, None, None]


def _finish_per_cloud(d, x_axis, z_axis):
    xd = jnp.einsum('nki,ni->nk', d, x_axis)
    sx = jnp.sign(jnp.sum(jnp.sign(xd), axis=1))
    sx = jnp.where(sx == 0, 1.0, sx)
    zd = jnp.einsum('nki,ni->nk', d, z_axis)
    sz = jnp.sign(jnp.sum(jnp.sign(zd), axis=1))
    sz = jnp.where(sz == 0, 1.0, sz)
    x_axis = x_axis * sx[:, None]
    z_axis = z_axis * sz[:, None]
    y_axis = jnp.cross(z_axis, x_axis)
    lrfs = jnp.stack([x_axis, y_axis, z_axis], axis=-1)
    return jnp.reshape(lrfs, (lrfs.shape[0], 9))


def kernel(vertices):
    nclouds, n, _ = vertices.shape
    block = min(BLOCK, n)
    vt = jnp.transpose(vertices, (0, 2, 1))
    dx, dy, dz = _knn_diffs(vertices, vt, n=n, block=block)
    diffs = jnp.stack([dx, dy, dz], axis=-1)
    cov = jax.vmap(_cov_per_cloud)(diffs)
    cov9 = cov.reshape(nclouds, n, 9)
    x2, z2, risk = _axes_and_risk(cov9, dx, dy, dz, n=n, block=block)

    total = nclouds * n
    m_cap = min(M_CAP, total)
    riskf = risk.reshape(total)
    _, sel = jax.lax.top_k(riskf, m_cap)
    cov_sub = cov.reshape(total, 3, 3)[sel]
    evals, evecs = jnp.linalg.eigh(cov_sub)
    evecs = evecs[:, :, ::-1]
    x_full = x2.reshape(total, 3).at[sel].set(evecs[:, :, 0])
    z_full = z2.reshape(total, 3).at[sel].set(evecs[:, :, 2])
    out = jax.vmap(_finish_per_cloud)(
        diffs, x_full.reshape(nclouds, n, 3), z_full.reshape(nclouds, n, 3))
    return out.reshape(nclouds, n, 9)

# --- scband reference (transcript-rebuilt; emitter-appended) ---
"""Pipeline reference for scband-point-cloud-normals-57930518889114 (READ-ONLY COPY).

The authoritative reference and input builder live on the scoring server;
editing this copy changes nothing except your own understanding.
"""

import jax, jax.numpy as jnp
import numpy as np


def knn_shot_lrf(k, vertices):
    # vertices: [N, 3]
    sq = jnp.sum(vertices * vertices, axis=1)
    d2 = sq[:, None] + sq[None, :] - 2.0 * (vertices @ vertices.T)
    d2 = jnp.maximum(d2, 0.0)
    # k nearest neighbors (includes self as nearest)
    _, idx = jax.lax.top_k(-d2, k)                      # [N, k]
    neigh = jnp.take(vertices, idx, axis=0)             # [N, k, 3]
    diffs = neigh - vertices[:, None, :]                # [N, k, 3]
    dists = jnp.sqrt(jnp.sum(diffs * diffs, axis=-1) + 1e-12)  # [N, k]
    r = jnp.max(dists, axis=1, keepdims=True)           # support radius
    w = jnp.maximum(r - dists, 0.0)                     # SHOT weights
    wsum = jnp.sum(w, axis=1) + 1e-12
    cov = jnp.einsum('nk,nki,nkj->nij', w, diffs, diffs) / wsum[:, None, None]
    evals, evecs = jnp.linalg.eigh(cov)                 # ascending eigenvalues
    evecs = evecs[:, :, ::-1]                           # descending: col0=largest
    x_axis = evecs[:, :, 0]
    z_axis = evecs[:, :, 2]
    # SHOT sign disambiguation: majority vote of neighbor directions
    xd = jnp.einsum('nki,ni->nk', diffs, x_axis)
    sx = jnp.sign(jnp.sum(jnp.sign(xd), axis=1))
    sx = jnp.where(sx == 0, 1.0, sx)
    zd = jnp.einsum('nki,ni->nk', diffs, z_axis)
    sz = jnp.sign(jnp.sum(jnp.sign(zd), axis=1))
    sz = jnp.where(sz == 0, 1.0, sz)
    x_axis = x_axis * sx[:, None]
    z_axis = z_axis * sz[:, None]
    y_axis = jnp.cross(z_axis, x_axis)
    lrfs = jnp.stack([x_axis, y_axis, z_axis], axis=-1)  # [N, 3, 3]
    return lrfs, neigh, idx


def setup_inputs(seed: int = 0) -> dict:
    key = jax.random.key(seed)
    vertices = jax.random.normal(key, (8, 4096, 3), dtype=jnp.float32)
    return {"vertices": vertices}


def reference(vertices):
    k = 32

    def per_cloud(v):
        lrfs, _, _ = knn_shot_lrf(k, v)
        return jnp.reshape(lrfs, (lrfs.shape[0], 9))

    return jax.vmap(per_cloud)(vertices)

if __name__ == "__main__":
    import jax
    _d = setup_inputs()
    print(jax.jit(kernel)(*tuple(_d.values())))

</pallas_src>

<mosaic_0001>
module attributes {stable_mosaic.version = 14 : i64} {
  func.func @_knn_kernel(%arg0: i32, %arg1: i32, %arg2: memref<1x256x3xf32, #tpu.memory_space<vmem>>, %arg3: memref<1x3x4096xf32, #tpu.memory_space<vmem>>, %arg4: memref<1x256x32xf32, #tpu.memory_space<vmem>>, %arg5: memref<1x256x32xf32, #tpu.memory_space<vmem>>, %arg6: memref<1x256x32xf32, #tpu.memory_space<vmem>>, %arg7: memref<256x4096xf32, #tpu.memory_space<vmem>>) attributes {dimension_semantics = [#tpu.dimension_semantics<parallel>, #tpu.dimension_semantics<arbitrary>], iteration_bounds = array<i64: 8, 16>, scalar_prefetch = 0 : i64, scratch_operands = 1 : i64, tpu.core_type = #tpu.core_type<tc>, window_params = [{transform_indices = @transform_0, window_bounds = array<i64: 1, 256, 3>}, {transform_indices = @transform_1, window_bounds = array<i64: 1, 3, 4096>}, {transform_indices = @transform_2, window_bounds = array<i64: 1, 256, 32>}, {transform_indices = @transform_3, window_bounds = array<i64: 1, 256, 32>}, {transform_indices = @transform_4, window_bounds = array<i64: 1, 256, 32>}]} {
    %get3A = arith.constant 0 : index
    %get3A_0 = arith.constant 0 : index
    %get3A_1 = arith.constant 0 : index
    %get3A_2 = vector.load %arg2[%get3A, %get3A_0, %get3A_1] : memref<1x256x3xf32, #tpu.memory_space<vmem>>, vector<1x256x3xf32>
    %get3A_3 = vector.shape_cast %get3A_2 : vector<1x256x3xf32> to vector<256x3xf32>
    %get3A_4 = arith.constant 0 : index
    %get3A_5 = arith.constant 0 : index
    %get3A_6 = arith.constant 0 : index
    %get3A_7 = vector.load %arg3[%get3A_4, %get3A_5, %get3A_6] : memref<1x3x4096xf32, #tpu.memory_space<vmem>>, vector<1x3x4096xf32>
    %get3A_8 = vector.shape_cast %get3A_7 : vector<1x3x4096xf32> to vector<3x4096xf32>
    %slice3A = vector.extract_strided_slice %get3A_3 {offsets = [0, 0], sizes = [256, 1], strides = [1, 1]} : vector<256x3xf32> to vector<256x1xf32>
    %slice3A_9 = vector.extract_strided_slice %get3A_3 {offsets = [0, 1], sizes = [256, 1], strides = [1, 1]} : vector<256x3xf32> to vector<256x1xf32>
    %slice3A_10 = vector.extract_strided_slice %get3A_3 {offsets = [0, 2], sizes = [256, 1], strides = [1, 1]} : vector<256x3xf32> to vector<256x1xf32>
    %slice3A_11 = vector.extract_strided_slice %get3A_8 {offsets = [0, 0], sizes = [1, 4096], strides = [1, 1]} : vector<3x4096xf32> to vector<1x4096xf32>
    %slice3A_12 = vector.extract_strided_slice %get3A_8 {offsets = [1, 0], sizes = [1, 4096], strides = [1, 1]} : vector<3x4096xf32> to vector<1x4096xf32>
    %slice3A_13 = vector.extract_strided_slice %get3A_8 {offsets = [2, 0], sizes = [1, 4096], strides = [1, 1]} : vector<3x4096xf32> to vector<1x4096xf32>
    %mul3A = arith.mulf %slice3A, %slice3A : vector<256x1xf32>
    %mul3A_14 = arith.mulf %slice3A_9, %slice3A_9 : vector<256x1xf32>
    %add3A = arith.addf %mul3A, %mul3A_14 : vector<256x1xf32>
    %mul3A_15 = arith.mulf %slice3A_10, %slice3A_10 : vector<256x1xf32>
    %add3A_16 = arith.addf %add3A, %mul3A_15 : vector<256x1xf32>
    %mul3A_17 = arith.mulf %slice3A_11, %slice3A_11 : vector<1x4096xf32>
    %mul3A_18 = arith.mulf %slice3A_12, %slice3A_12 : vector<1x4096xf32>
    %add3A_19 = arith.addf %mul3A_17, %mul3A_18 : vector<1x4096xf32>
    %mul3A_20 = arith.mulf %slice3A_13, %slice3A_13 : vector<1x4096xf32>
    %add3A_21 = arith.addf %add3A_19, %mul3A_20 : vector<1x4096xf32>
    %dot_general3A = arith.constant dense<0.000000e+00> : vector<256x4096xf32>
    %dot_general3A_22 = tpu.matmul %get3A_3, %get3A_8, %dot_general3A {dimension_numbers = #tpu.dot_dimension_numbers<[1], [0], [0], [1], [0, 0, 1, 1], [], []>, transpose_lhs_hint = false} : vector<256x3xf32>, vector<3x4096xf32>, vector<256x4096xf32> -> vector<256x4096xf32>
    %add3A_23 = vector.broadcast %add3A_16 : vector<256x1xf32> to vector<256x4096xf32>
    %add3A_24 = vector.broadcast %add3A_21 : vector<1x4096xf32> to vector<256x4096xf32>
    %add3A_25 = arith.addf %add3A_23, %add3A_24 : vector<256x4096xf32>
    %mul3A_26 = arith.constant 2.000000e+00 : f32
    %mul3A_27 = vector.broadcast %mul3A_26 : f32 to vector<256x4096xf32>
    %mul3A_28 = arith.mulf %mul3A_27, %dot_general3A_22 : vector<256x4096xf32>
    %sub3A = arith.subf %add3A_25, %mul3A_28 : vector<256x4096xf32>
    %max3A = arith.constant 0.000000e+00 : f32
    %max3A_29 = vector.broadcast %max3A : f32 to vector<256x4096xf32>
    %max3A_30 = arith.maximumf %sub3A, %max3A_29 : vector<256x4096xf32>
    %swap3A = arith.constant 0 : index
    %swap3A_31 = arith.constant 0 : index
    %swap3A_32 = vector.load %arg7[%swap3A, %swap3A_31] : memref<256x4096xf32, #tpu.memory_space<vmem>>, vector<256x4096xf32>
    tpu.vector_store %arg7[%swap3A, %swap3A_31], %max3A_30 {strides = array<i32>} : memref<256x4096xf32, #tpu.memory_space<vmem>>, vector<256x4096xf32>,
    %iota3A = tpu.iota {dimensions = array<i32: 1>} : vector<256x4096xi32>
    %iota3A_33 = tpu.iota {dimensions = array<i32: 1>} : vector<256x32xi32>
    %scan3A = arith.constant 0x7F800000 : f32
    %scan3A_34 = arith.constant 0 : i32
    %scan3A_35 = arith.constant 32 : i32
    %scan3A_36 = arith.addi %scan3A_34, %scan3A_35 : i32
    %scan3A_37 = arith.constant 1 : i32
    scf.for %scan3A_39 = %scan3A_34 to %scan3A_36 step %scan3A_37  : i32 {
      %get3A_40 = arith.constant 0 : index
      %get3A_41 = arith.constant 0 : index
      %get3A_42 = vector.load %arg7[%get3A_40, %get3A_41] : memref<256x4096xf32, #tpu.memory_space<vmem>>, vector<256x4096xf32>
      %reduce_min3A = arith.constant dense<0x7F800000> : vector<256xf32>
      %reduce_min3A_43 = vector.multi_reduction <minimumf>, %get3A_42, %reduce_min3A [1] : vector<256x4096xf32> to vector<256xf32>
      %broadcast_in_dim3A = vector.shape_cast %reduce_min3A_43 : vector<256xf32> to vector<256x1xf32>
      %eq3A = vector.broadcast %broadcast_in_dim3A : vector<256x1xf32> to vector<256x4096xf32>
      %eq3A_44 = arith.cmpf oeq, %get3A_42, %eq3A : vector<256x4096xf32>
      %jit3A = arith.constant 4096 : i32
      %broadcast_in_dim3A_45 = vector.broadcast %jit3A : i32 to vector<256x4096xi32>
      %select_n3A = arith.select %eq3A_44, %iota3A, %broadcast_in_dim3A_45 : vector<256x4096xi1>, vector<256x4096xi32>
      %reduce_min3A_46 = arith.constant dense<2147483647> : vector<256xi32>
      %reduce_min3A_47 = vector.multi_reduction <minsi>, %select_n3A, %reduce_min3A_46 [1] : vector<256x4096xi32> to vector<256xi32>
      %broadcast_in_dim3A_48 = vector.shape_cast %reduce_min3A_47 : vector<256xi32> to vector<256x1xi32>
      %eq3A_49 = vector.broadcast %broadcast_in_dim3A_48 : vector<256x1xi32> to vector<256x4096xi32>
      %eq3A_50 = arith.cmpi eq, %iota3A, %eq3A_49 : vector<256x4096xi32>
      %jit3A_51 = arith.constant 1.000000e+00 : f32
      %jit3A_52 = arith.constant 0.000000e+00 : f32
      %broadcast_in_dim3A_53 = vector.broadcast %jit3A_51 : f32 to vector<256x4096xf32>
      %broadcast_in_dim3A_54 = vector.broadcast %jit3A_52 : f32 to vector<256x4096xf32>
      %select_n3A_55 = arith.select %eq3A_50, %broadcast_in_dim3A_53, %broadcast_in_dim3A_54 : vector<256x4096xi1>, vector<256x4096xf32>
      %mul3A_56 = vector.broadcast %slice3A_11 : vector<1x4096xf32> to vector<256x4096xf32>
      %mul3A_57 = arith.mulf %select_n3A_55, %mul3A_56 : vector<256x4096xf32>
      %reduce_sum3A = arith.constant dense<0.000000e+00> : vector<256xf32>
      %reduce_sum3A_58 = vector.multi_reduction <add>, %mul3A_57, %reduce_sum3A [1] : vector<256x4096xf32> to vector<256xf32>
      %broadcast_in_dim3A_59 = vector.shape_cast %reduce_sum3A_58 : vector<256xf32> to vector<256x1xf32>
      %mul3A_60 = vector.broadcast %slice3A_12 : vector<1x4096xf32> to vector<256x4096xf32>
      %mul3A_61 = arith.mulf %select_n3A_55, %mul3A_60 : vector<256x4096xf32>
      %reduce_sum3A_62 = arith.constant dense<0.000000e+00> : vector<256xf32>
      %reduce_sum3A_63 = vector.multi_reduction <add>, %mul3A_61, %reduce_sum3A_62 [1] : vector<256x4096xf32> to vector<256xf32>
      %broadcast_in_dim3A_64 = vector.shape_cast %reduce_sum3A_63 : vector<256xf32> to vector<256x1xf32>
      %mul3A_65 = vector.broadcast %slice3A_13 : vector<1x4096xf32> to vector<256x4096xf32>
      %mul3A_66 = arith.mulf %select_n3A_55, %mul3A_65 : vector<256x4096xf32>
      %reduce_sum3A_67 = arith.constant dense<0.000000e+00> : vector<256xf32>
      %reduce_sum3A_68 = vector.multi_reduction <add>, %mul3A_66, %reduce_sum3A_67 [1] : vector<256x4096xf32> to vector<256xf32>
      %broadcast_in_dim3A_69 = vector.shape_cast %reduce_sum3A_68 : vector<256xf32> to vector<256x1xf32>
      %eq3A_70 = vector.broadcast %scan3A_39 : i32 to vector<256x32xi32>
      %eq3A_71 = arith.cmpi eq, %iota3A_33, %eq3A_70 : vector<256x32xi32>
      %sub3A_72 = arith.subf %broadcast_in_dim3A_59, %slice3A : vector<256x1xf32>
      %get3A_73 = arith.constant 0 : index
      %get3A_74 = arith.constant 0 : index
      %get3A_75 = arith.constant 0 : index
      %get3A_76 = vector.load %arg4[%get3A_73, %get3A_74, %get3A_75] : memref<1x256x32xf32, #tpu.memory_space<vmem>>, vector<1x256x32xf32>
      %get3A_77 = vector.shape_cast %get3A_76 : vector<1x256x32xf32> to vector<256x32xf32>
      %broadcast_in_dim3A_78 = vector.shape_cast %sub3A_72 : vector<256x1xf32> to vector<256x1xf32>
      %broadcast_in_dim3A_79 = vector.broadcast %broadcast_in_dim3A_78 : vector<256x1xf32> to vector<256x32xf32>
      %select_n3A_80 = arith.select %eq3A_71, %broadcast_in_dim3A_79, %get3A_77 : vector<256x32xi1>, vector<256x32xf32>
      %swap3A_81 = arith.constant 0 : index
      %swap3A_82 = arith.constant 0 : index
      %swap3A_83 = arith.constant 0 : index
      %swap3A_84 = vector.load %arg4[%swap3A_81, %swap3A_82, %swap3A_83] : memref<1x256x32xf32, #tpu.memory_space<vmem>>, vector<1x256x32xf32>
      %swap3A_85 = vector.shape_cast %swap3A_84 : vector<1x256x32xf32> to vector<256x32xf32>
      %swap3A_86 = vector.shape_cast %select_n3A_80 : vector<256x32xf32> to vector<1x256x32xf32>
      tpu.vector_store %arg4[%swap3A_81, %swap3A_82, %swap3A_83], %swap3A_86 {strides = array<i32>} : memref<1x256x32xf32, #tpu.memory_space<vmem>>, vector<1x256x32xf32>,
      %sub3A_87 = arith.subf %broadcast_in_dim3A_64, %slice3A_9 : vector<256x1xf32>
      %get3A_88 = arith.constant 0 : index
      %get3A_89 = arith.constant 0 : index
      %get3A_90 = arith.constant 0 : index
      %get3A_91 = vector.load %arg5[%get3A_88, %get3A_89, %get3A_90] : memref<1x256x32xf32, #tpu.memory_space<vmem>>, vector<1x256x32xf32>
      %get3A_92 = vector.shape_cast %get3A_91 : vector<1x256x32xf32> to vector<256x32xf32>
      %broadcast_in_dim3A_93 = vector.shape_cast %sub3A_87 : vector<256x1xf32> to vector<256x1xf32>
      %broadcast_in_dim3A_94 = vector.broadcast %broadcast_in_dim3A_93 : vector<256x1xf32> to vector<256x32xf32>
      %select_n3A_95 = arith.select %eq3A_71, %broadcast_in_dim3A_94, %get3A_92 : vector<256x32xi1>, vector<256x32xf32>
      %swap3A_96 = arith.constant 0 : index
      %swap3A_97 = arith.constant 0 : index
      %swap3A_98 = arith.constant 0 : index
      %swap3A_99 = vector.load %arg5[%swap3A_96, %swap3A_97, %swap3A_98] : memref<1x256x32xf32, #tpu.memory_space<vmem>>, vector<1x256x32xf32>
      %swap3A_100 = vector.shape_cast %swap3A_99 : vector<1x256x32xf32> to vector<256x32xf32>
      %swap3A_101 = vector.shape_cast %select_n3A_95 : vector<256x32xf32> to vector<1x256x32xf32>
      tpu.vector_store %arg5[%swap3A_96, %swap3A_97, %swap3A_98], %swap3A_101 {strides = array<i32>} : memref<1x256x32xf32, #tpu.memory_space<vmem>>, vector<1x256x32xf32>,
      %sub3A_102 = arith.subf %broadcast_in_dim3A_69, %slice3A_10 : vector<256x1xf32>
      %get3A_103 = arith.constant 0 : index
      %get3A_104 = arith.constant 0 : index
      %get3A_105 = arith.constant 0 : index
      %get3A_106 = vector.load %arg6[%get3A_103, %get3A_104, %get3A_105] : memref<1x256x32xf32, #tpu.memory_space<vmem>>, vector<1x256x32xf32>
      %get3A_107 = vector.shape_cast %get3A_106 : vector<1x256x32xf32> to vector<256x32xf32>
      %broadcast_in_dim3A_108 = vector.shape_cast %sub3A_102 : vector<256x1xf32> to vector<256x1xf32>
      %broadcast_in_dim3A_109 = vector.broadcast %broadcast_in_dim3A_108 : vector<256x1xf32> to vector<256x32xf32>
      %select_n3A_110 = arith.select %eq3A_71, %broadcast_in_dim3A_109, %get3A_107 : vector<256x32xi1>, vector<256x32xf32>
      %swap3A_111 = arith.constant 0 : index
      %swap3A_112 = arith.constant 0 : index
      %swap3A_113 = arith.constant 0 : index
      %swap3A_114 = vector.load %arg6[%swap3A_111, %swap3A_112, %swap3A_113] : memref<1x256x32xf32, #tpu.memory_space<vmem>>, vector<1x256x32xf32>
      %swap3A_115 = vector.shape_cast %swap3A_114 : vector<1x256x32xf32> to vector<256x32xf32>
      %swap3A_116 = vector.shape_cast %select_n3A_110 : vector<256x32xf32> to vector<1x256x32xf32>
      tpu.vector_store %arg6[%swap3A_111, %swap3A_112, %swap3A_113], %swap3A_116 {strides = array<i32>} : memref<1x256x32xf32, #tpu.memory_space<vmem>>, vector<1x256x32xf32>,
      %eq3A_117 = vector.broadcast %broadcast_in_dim3A_48 : vector<256x1xi32> to vector<256x4096xi32>
      %eq3A_118 = arith.cmpi eq, %iota3A, %eq3A_117 : vector<256x4096xi32>
      %broadcast_in_dim3A_119 = vector.broadcast %scan3A : f32 to vector<256x4096xf32>
      %select_n3A_120 = arith.select %eq3A_118, %broadcast_in_dim3A_119, %get3A_42 : vector<256x4096xi1>, vector<256x4096xf32>
      %swap3A_121 = arith.constant 0 : index
      %swap3A_122 = arith.constant 0 : index
      %swap3A_123 = vector.load %arg7[%swap3A_121, %swap3A_122] : memref<256x4096xf32, #tpu.memory_space<vmem>>, vector<256x4096xf32>
      tpu.vector_store %arg7[%swap3A_121, %swap3A_122], %select_n3A_120 {strides = array<i32>} : memref<256x4096xf32, #tpu.memory_space<vmem>>, vector<256x4096xf32>,
    }
    %scan3A_38 = arith.constant 32 : i32
    return
  }
  func.func @transform_0(%arg0: i32, %arg1: i32) -> (i32, i32, i32) {
    %c0_i32 = arith.constant 0 : i32
    %c0_i32_0 = arith.constant 0 : i32
    return %arg0, %arg1, %c0_i32 : i32, i32, i32
  }
  func.func @transform_1(%arg0: i32, %arg1: i32) -> (i32, i32, i32) {
    %c0_i32 = arith.constant 0 : i32
    %c0_i32_0 = arith.constant 0 : i32
    %c0_i32_1 = arith.constant 0 : i32
    return %arg0, %c0_i32, %c0_i32_0 : i32, i32, i32
  }
  func.func @transform_2(%arg0: i32, %arg1: i32) -> (i32, i32, i32) {
    %c0_i32 = arith.constant 0 : i32
    %c0_i32_0 = arith.constant 0 : i32
    return %arg0, %arg1, %c0_i32 : i32, i32, i32
  }
  func.func @transform_3(%arg0: i32, %arg1: i32) -> (i32, i32, i32) {
    %c0_i32 = arith.constant 0 : i32
    %c0_i32_0 = arith.constant 0 : i32
    return %arg0, %arg1, %c0_i32 : i32, i32, i32
  }
  func.func @transform_4(%arg0: i32, %arg1: i32) -> (i32, i32, i32) {
    %c0_i32 = arith.constant 0 : i32
    %c0_i32_0 = arith.constant 0 : i32
    return %arg0, %arg1, %c0_i32 : i32, i32, i32
  }
}

module attributes {stable_mosaic.version = 14 : i64} {
  func.func @_frame_kernel(%arg0: i32, %arg1: i32, %arg2: memref<1x256x9xf32, #tpu.memory_space<vmem>>, %arg3: memref<1x256x32xf32, #tpu.memory_space<vmem>>, %arg4: memref<1x256x32xf32, #tpu.memory_space<vmem>>, %arg5: memref<1x256x32xf32, #tpu.memory_space<vmem>>, %arg6: memref<1x256x3xf32, #tpu.memory_space<vmem>>, %arg7: memref<1x256x3xf32, #tpu.memory_space<vmem>>, %arg8: memref<1x256x1xf32, #tpu.memory_space<vmem>>) attributes {dimension_semantics = [#tpu.dimension_semantics<parallel>, #tpu.dimension_semantics<arbitrary>], iteration_bounds = array<i64: 8, 16>, scalar_prefetch = 0 : i64, scratch_operands = 0 : i64, tpu.core_type = #tpu.core_type<tc>, window_params = [{transform_indices = @transform_0, window_bounds = array<i64: 1, 256, 9>}, {transform_indices = @transform_1, window_bounds = array<i64: 1, 256, 32>}, {transform_indices = @transform_2, window_bounds = array<i64: 1, 256, 32>}, {transform_indices = @transform_3, window_bounds = array<i64: 1, 256, 32>}, {transform_indices = @transform_4, window_bounds = array<i64: 1, 256, 3>}, {transform_indices = @transform_5, window_bounds = array<i64: 1, 256, 3>}, {transform_indices = @transform_6, window_bounds = array<i64: 1, 256, 1>}]} {
    %get3A = arith.constant 0 : index
    %get3A_0 = arith.constant 0 : index
    %get3A_1 = arith.constant 0 : index
    %get3A_2 = vector.load %arg2[%get3A, %get3A_0, %get3A_1] : memref<1x256x9xf32, #tpu.memory_space<vmem>>, vector<1x256x9xf32>
    %get3A_3 = vector.shape_cast %get3A_2 : vector<1x256x9xf32> to vector<256x9xf32>
    %slice3A = vector.extract_strided_slice %get3A_3 {offsets = [0, 0], sizes = [256, 1], strides = [1, 1]} : vector<256x9xf32> to vector<256x1xf32>
    %slice3A_4 = vector.extract_strided_slice %get3A_3 {offsets = [0, 1], sizes = [256, 1], strides = [1, 1]} : vector<256x9xf32> to vector<256x1xf32>
    %slice3A_5 = vector.extract_strided_slice %get3A_3 {offsets = [0, 2], sizes = [256, 1], strides = [1, 1]} : vector<256x9xf32> to vector<256x1xf32>
    %slice3A_6 = vector.extract_strided_slice %get3A_3 {offsets = [0, 4], sizes = [256, 1], strides = [1, 1]} : vector<256x9xf32> to vector<256x1xf32>
    %slice3A_7 = vector.extract_strided_slice %get3A_3 {offsets = [0, 5], sizes = [256, 1], strides = [1, 1]} : vector<256x9xf32> to vector<256x1xf32>
    %slice3A_8 = vector.extract_strided_slice %get3A_3 {offsets = [0, 8], sizes = [256, 1], strides = [1, 1]} : vector<256x9xf32> to vector<256x1xf32>
    %broadcast_in_dim3A = arith.constant 1.000000e+00 : f32
    %broadcast_in_dim3A_9 = vector.broadcast %broadcast_in_dim3A : f32 to vector<256x1xf32>
    %broadcast_in_dim3A_10 = arith.constant 0.000000e+00 : f32
    %broadcast_in_dim3A_11 = vector.broadcast %broadcast_in_dim3A_10 : f32 to vector<256x1xf32>
    %ne3A = arith.constant 0.000000e+00 : f32
    %ne3A_12 = vector.broadcast %ne3A : f32 to vector<256x1xf32>
    %ne3A_13 = arith.cmpf one, %slice3A_4, %ne3A_12 : vector<256x1xf32>
    %jit3A = arith.constant 1.000000e+00 : f32
    %broadcast_in_dim3A_14 = vector.broadcast %jit3A : f32 to vector<256x1xf32>
    %select_n3A = arith.select %ne3A_13, %slice3A_4, %broadcast_in_dim3A_14 : vector<256x1xi1>, vector<256x1xf32>
    %sub3A = arith.subf %slice3A_6, %slice3A : vector<256x1xf32>
    %mul3A = arith.constant 2.000000e+00 : f32
    %mul3A_15 = vector.broadcast %mul3A : f32 to vector<256x1xf32>
    %mul3A_16 = arith.mulf %mul3A_15, %select_n3A : vector<256x1xf32>
    %div3A = arith.divf %sub3A, %mul3A_16 : vector<256x1xf32>
    %sign3A = tpu.bitcast %div3A : vector<256x1xf32> -> vector<256x1xi32>
    %sign3A_17 = arith.constant -2147483648 : i32
    %sign3A_18 = vector.broadcast %sign3A_17 : i32 to vector<256x1xi32>
    %sign3A_19 = arith.andi %sign3A, %sign3A_18 : vector<256x1xi32>
    %sign3A_20 = arith.constant 1065353216 : i32
    %sign3A_21 = vector.broadcast %sign3A_20 : i32 to vector<256x1xi32>
    %sign3A_22 = arith.ori %sign3A_21, %sign3A_19 : vector<256x1xi32>
    %sign3A_23 = tpu.bitcast %sign3A_22 : vector<256x1xi32> -> vector<256x1xf32>
    %sign3A_24 = math.absf %div3A : vector<256x1xf32>
    %sign3A_25 = arith.constant 0.000000e+00 : f32
    %sign3A_26 = vector.broadcast %sign3A_25 : f32 to vector<256x1xf32>
    %sign3A_27 = arith.cmpf ogt, %sign3A_24, %sign3A_26 : vector<256x1xf32>
    %sign3A_28 = arith.select %sign3A_27, %sign3A_23, %div3A : vector<256x1xi1>, vector<256x1xf32>
    %abs3A = math.absf %div3A : vector<256x1xf32>
    %mul3A_29 = arith.mulf %div3A, %div3A : vector<256x1xf32>
    %add3A = arith.constant 1.000000e+00 : f32
    %add3A_30 = vector.broadcast %add3A : f32 to vector<256x1xf32>
    %add3A_31 = arith.addf %mul3A_29, %add3A_30 : vector<256x1xf32>
    %sqrt3A = math.sqrt %add3A_31 : vector<256x1xf32>
    %add3A_32 = arith.addf %abs3A, %sqrt3A : vector<256x1xf32>
    %div3A_33 = arith.divf %sign3A_28, %add3A_32 : vector<256x1xf32>
    %eq3A = arith.constant 0.000000e+00 : f32
    %eq3A_34 = vector.broadcast %eq3A : f32 to vector<256x1xf32>
    %eq3A_35 = arith.cmpf oeq, %div3A, %eq3A_34 : vector<256x1xf32>
    %jit3A_36 = arith.constant 1.000000e+00 : f32
    %broadcast_in_dim3A_37 = vector.broadcast %jit3A_36 : f32 to vector<256x1xf32>
    %select_n3A_38 = arith.select %eq3A_35, %broadcast_in_dim3A_37, %div3A_33 : vector<256x1xi1>, vector<256x1xf32>
    %jit3A_39 = arith.constant 0.000000e+00 : f32
    %broadcast_in_dim3A_40 = vector.broadcast %jit3A_39 : f32 to vector<256x1xf32>
    %select_n3A_41 = arith.select %ne3A_13, %select_n3A_38, %broadcast_in_dim3A_40 : vector<256x1xi1>, vector<256x1xf32>
    %mul3A_42 = arith.mulf %select_n3A_41, %select_n3A_41 : vector<256x1xf32>
    %add3A_43 = arith.constant 1.000000e+00 : f32
    %add3A_44 = vector.broadcast %add3A_43 : f32 to vector<256x1xf32>
    %add3A_45 = arith.addf %mul3A_42, %add3A_44 : vector<256x1xf32>
    %rsqrt3A = math.rsqrt %add3A_45 : vector<256x1xf32>
    %mul3A_46 = arith.mulf %select_n3A_41, %rsqrt3A : vector<256x1xf32>
    %mul3A_47 = arith.mulf %select_n3A_41, %slice3A_4 : vector<256x1xf32>
    %sub3A_48 = arith.subf %slice3A, %mul3A_47 : vector<256x1xf32>
    %mul3A_49 = arith.mulf %select_n3A_41, %slice3A_4 : vector<256x1xf32>
    %add3A_50 = arith.addf %slice3A_6, %mul3A_49 : vector<256x1xf32>
    %broadcast_in_dim3A_51 = arith.constant 0.000000e+00 : f32
    %broadcast_in_dim3A_52 = vector.broadcast %broadcast_in_dim3A_51 : f32 to vector<256x1xf32>
    %mul3A_53 = arith.mulf %rsqrt3A, %slice3A_5 : vector<256x1xf32>
    %mul3A_54 = arith.mulf %mul3A_46, %slice3A_7 : vector<256x1xf32>
    %sub3A_55 = arith.subf %mul3A_53, %mul3A_54 : vector<256x1xf32>
    %mul3A_56 = arith.mulf %mul3A_46, %slice3A_5 : vector<256x1xf32>
    %mul3A_57 = arith.mulf %rsqrt3A, %slice3A_7 : vector<256x1xf32>
    %add3A_58 = arith.addf %mul3A_56, %mul3A_57 : vector<256x1xf32>
    %mul3A_59 = arith.mulf %rsqrt3A, %broadcast_in_dim3A_9 : vector<256x1xf32>
    %mul3A_60 = arith.mulf %mul3A_46, %broadcast_in_dim3A_11 : vector<256x1xf32>
    %sub3A_61 = arith.subf %mul3A_59, %mul3A_60 : vector<256x1xf32>
    %mul3A_62 = arith.mulf %mul3A_46, %broadcast_in_dim3A_9 : vector<256x1xf32>
    %mul3A_63 = arith.mulf %rsqrt3A, %broadcast_in_dim3A_11 : vector<256x1xf32>
    %add3A_64 = arith.addf %mul3A_62, %mul3A_63 : vector<256x1xf32>
    %mul3A_65 = arith.mulf %rsqrt3A, %broadcast_in_dim3A_11 : vector<256x1xf32>
    %mul3A_66 = arith.mulf %mul3A_46, %broadcast_in_dim3A_9 : vector<256x1xf32>
    %sub3A_67 = arith.subf %mul3A_65, %mul3A_66 : vector<256x1xf32>
    %mul3A_68 = arith.mulf %mul3A_46, %broadcast_in_dim3A_11 : vector<256x1xf32>
    %mul3A_69 = arith.mulf %rsqrt3A, %broadcast_in_dim3A_9 : vector<256x1xf32>
    %add3A_70 = arith.addf %mul3A_68, %mul3A_69 : vector<256x1xf32>
    %mul3A_71 = arith.mulf %rsqrt3A, %broadcast_in_dim3A_11 : vector<256x1xf32>
    %mul3A_72 = arith.mulf %mul3A_46, %broadcast_in_dim3A_11 : vector<256x1xf32>
    %sub3A_73 = arith.subf %mul3A_71, %mul3A_72 : vector<256x1xf32>
    %mul3A_74 = arith.mulf %mul3A_46, %broadcast_in_dim3A_11 : vector<256x1xf32>
    %mul3A_75 = arith.mulf %rsqrt3A, %broadcast_in_dim3A_11 : vector<256x1xf32>
    %add3A_76 = arith.addf %mul3A_74, %mul3A_75 : vector<256x1xf32>
    %ne3A_77 = arith.constant 0.000000e+00 : f32
    %ne3A_78 = vector.broadcast %ne3A_77 : f32 to vector<256x1xf32>
    %ne3A_79 = arith.cmpf one, %sub3A_55, %ne3A_78 : vector<256x1xf32>
    %jit3A_80 = arith.constant 1.000000e+00 : f32
    %broadcast_in_dim3A_81 = vector.broadcast %jit3A_80 : f32 to vector<256x1xf32>
    %select_n3A_82 = arith.select %ne3A_79, %sub3A_55, %broadcast_in_dim3A_81 : vector<256x1xi1>, vector<256x1xf32>
    %sub3A_83 = arith.subf %slice3A_8, %sub3A_48 : vector<256x1xf32>
    %mul3A_84 = arith.constant 2.000000e+00 : f32
    %mul3A_85 = vector.broadcast %mul3A_84 : f32 to vector<256x1xf32>
    %mul3A_86 = arith.mulf %mul3A_85, %select_n3A_82 : vector<256x1xf32>
    %div3A_87 = arith.divf %sub3A_83, %mul3A_86 : vector<256x1xf32>
    %sign3A_88 = tpu.bitcast %div3A_87 : vector<256x1xf32> -> vector<256x1xi32>
    %sign3A_89 = arith.constant -2147483648 : i32
    %sign3A_90 = vector.broadcast %sign3A_89 : i32 to vector<256x1xi32>
    %sign3A_91 = arith.andi %sign3A_88, %sign3A_90 : vector<256x1xi32>
    %sign3A_92 = arith.constant 1065353216 : i32
    %sign3A_93 = vector.broadcast %sign3A_92 : i32 to vector<256x1xi32>
    %sign3A_94 = arith.ori %sign3A_93, %sign3A_91 : vector<256x1xi32>
    %sign3A_95 = tpu.bitcast %sign3A_94 : vector<256x1xi32> -> vector<256x1xf32>
    %sign3A_96 = math.absf %div3A_87 : vector<256x1xf32>
    %sign3A_97 = arith.constant 0.000000e+00 : f32
    %sign3A_98 = vector.broadcast %sign3A_97 : f32 to vector<256x1xf32>
    %sign3A_99 = arith.cmpf ogt, %sign3A_96, %sign3A_98 : vector<256x1xf32>
    %sign3A_100 = arith.select %sign3A_99, %sign3A_95, %div3A_87 : vector<256x1xi1>, vector<256x1xf32>
    %abs3A_101 = math.absf %div3A_87 : vector<256x1xf32>
    %mul3A_102 = arith.mulf %div3A_87, %div3A_87 : vector<256x1xf32>
    %add3A_103 = arith.constant 1.000000e+00 : f32
    %add3A_104 = vector.broadcast %add3A_103 : f32 to vector<256x1xf32>
    %add3A_105 = arith.addf %mul3A_102, %add3A_104 : vector<256x1xf32>
    %sqrt3A_106 = math.sqrt %add3A_105 : vector<256x1xf32>
    %add3A_107 = arith.addf %abs3A_101, %sqrt3A_106 : vector<256x1xf32>
    %div3A_108 = arith.divf %sign3A_100, %add3A_107 : vector<256x1xf32>
    %eq3A_109 = arith.constant 0.000000e+00 : f32
    %eq3A_110 = vector.broadcast %eq3A_109 : f32 to vector<256x1xf32>
    %eq3A_111 = arith.cmpf oeq, %div3A_87, %eq3A_110 : vector<256x1xf32>
    %jit3A_112 = arith.constant 1.000000e+00 : f32
    %broadcast_in_dim3A_113 = vector.broadcast %jit3A_112 : f32 to vector<256x1xf32>
    %select_n3A_114 = arith.select %eq3A_111, %broadcast_in_dim3A_113, %div3A_108 : vector<256x1xi1>, vector<256x1xf32>
    %jit3A_115 = arith.constant 0.000000e+00 : f32
    %broadcast_in_dim3A_116 = vector.broadcast %jit3A_115 : f32 to vector<256x1xf32>
    %select_n3A_117 = arith.select %ne3A_79, %select_n3A_114, %broadcast_in_dim3A_116 : vector<256x1xi1>, vector<256x1xf32>
    %mul3A_118 = arith.mulf %select_n3A_117, %select_n3A_117 : vector<256x1xf32>
    %add3A_119 = arith.constant 1.000000e+00 : f32
    %add3A_120 = vector.broadcast %add3A_119 : f32 to vector<256x1xf32>
    %add3A_121 = arith.addf %mul3A_118, %add3A_120 : vector<256x1xf32>
    %rsqrt3A_122 = math.rsqrt %add3A_121 : vector<256x1xf32>
    %mul3A_123 = arith.mulf %select_n3A_117, %rsqrt3A_122 : vector<256x1xf32>
    %mul3A_124 = arith.mulf %select_n3A_117, %sub3A_55 : vector<256x1xf32>
    %sub3A_125 = arith.subf %sub3A_48, %mul3A_124 : vector<256x1xf32>
    %mul3A_126 = arith.mulf %select_n3A_117, %sub3A_55 : vector<256x1xf32>
    %add3A_127 = arith.addf %slice3A_8, %mul3A_126 : vector<256x1xf32>
    %broadcast_in_dim3A_128 = arith.constant 0.000000e+00 : f32
    %broadcast_in_dim3A_129 = vector.broadcast %broadcast_in_dim3A_128 : f32 to vector<256x1xf32>
    %mul3A_130 = arith.mulf %rsqrt3A_122, %broadcast_in_dim3A_52 : vector<256x1xf32>
    %mul3A_131 = arith.mulf %mul3A_123, %add3A_58 : vector<256x1xf32>
    %sub3A_132 = arith.subf %mul3A_130, %mul3A_131 : vector<256x1xf32>
    %mul3A_133 = arith.mulf %mul3A_123, %broadcast_in_dim3A_52 : vector<256x1xf32>
    %mul3A_134 = arith.mulf %rsqrt3A_122, %add3A_58 : vector<256x1xf32>
    %add3A_135 = arith.addf %mul3A_133, %mul3A_134 : vector<256x1xf32>
    %mul3A_136 = arith.mulf %rsqrt3A_122, %sub3A_61 : vector<256x1xf32>
    %mul3A_137 = arith.mulf %mul3A_123, %broadcast_in_dim3A_11 : vector<256x1xf32>
    %sub3A_138 = arith.subf %mul3A_136, %mul3A_137 : vector<256x1xf32>
    %mul3A_139 = arith.mulf %mul3A_123, %sub3A_61 : vector<256x1xf32>
    %mul3A_140 = arith.mulf %rsqrt3A_122, %broadcast_in_dim3A_11 : vector<256x1xf32>
    %add3A_141 = arith.addf %mul3A_139, %mul3A_140 : vector<256x1xf32>
    %mul3A_142 = arith.mulf %rsqrt3A_122, %sub3A_67 : vector<256x1xf32>
    %mul3A_143 = arith.mulf %mul3A_123, %broadcast_in_dim3A_11 : vector<256x1xf32>
    %sub3A_144 = arith.subf %mul3A_142, %mul3A_143 : vector<256x1xf32>
    %mul3A_145 = arith.mulf %mul3A_123, %sub3A_67 : vector<256x1xf32>
    %mul3A_146 = arith.mulf %rsqrt3A_122, %broadcast_in_dim3A_11 : vector<256x1xf32>
    %add3A_147 = arith.addf %mul3A_145, %mul3A_146 : vector<256x1xf32>
    %mul3A_148 = arith.mulf %rsqrt3A_122, %sub3A_73 : vector<256x1xf32>
    %mul3A_149 = arith.mulf %mul3A_123, %broadcast_in_dim3A_9 : vector<256x1xf32>
    %sub3A_150 = arith.subf %mul3A_148, %mul3A_149 : vector<256x1xf32>
    %mul3A_151 = arith.mulf %mul3A_123, %sub3A_73 : vector<256x1xf32>
    %mul3A_152 = arith.mulf %rsqrt3A_122, %broadcast_in_dim3A_9 : vector<256x1xf32>
    %add3A_153 = arith.addf %mul3A_151, %mul3A_152 : vector<256x1xf32>
    %ne3A_154 = arith.constant 0.000000e+00 : f32
    %ne3A_155 = vector.broadcast %ne3A_154 : f32 to vector<256x1xf32>
    %ne3A_156 = arith.cmpf one, %add3A_135, %ne3A_155 : vector<256x1xf32>
    %jit3A_157 = arith.constant 1.000000e+00 : f32
    %broadcast_in_dim3A_158 = vector.broadcast %jit3A_157 : f32 to vector<256x1xf32>
    %select_n3A_159 = arith.select %ne3A_156, %add3A_135, %broadcast_in_dim3A_158 : vector<256x1xi1>, vector<256x1xf32>
    %sub3A_160 = arith.subf %add3A_127, %add3A_50 : vector<256x1xf32>
    %mul3A_161 = arith.constant 2.000000e+00 : f32
    %mul3A_162 = vector.broadcast %mul3A_161 : f32 to vector<256x1xf32>
    %mul3A_163 = arith.mulf %mul3A_162, %select_n3A_159 : vector<256x1xf32>
    %div3A_164 = arith.divf %sub3A_160, %mul3A_163 : vector<256x1xf32>
    %sign3A_165 = tpu.bitcast %div3A_164 : vector<256x1xf32> -> vector<256x1xi32>
    %sign3A_166 = arith.constant -2147483648 : i32
    %sign3A_167 = vector.broadcast %sign3A_166 : i32 to vector<256x1xi32>
    %sign3A_168 = arith.andi %sign3A_165, %sign3A_167 : vector<256x1xi32>
    %sign3A_169 = arith.constant 1065353216 : i32
    %sign3A_170 = vector.broadcast %sign3A_169 : i32 to vector<256x1xi32>
    %sign3A_171 = arith.ori %sign3A_170, %sign3A_168 : vector<256x1xi32>
    %sign3A_172 = tpu.bitcast %sign3A_171 : vector<256x1xi32> -> vector<256x1xf32>
    %sign3A_173 = math.absf %div3A_164 : vector<256x1xf32>
    %sign3A_174 = arith.constant 0.000000e+00 : f32
    %sign3A_175 = vector.broadcast %sign3A_174 : f32 to vector<256x1xf32>
    %sign3A_176 = arith.cmpf ogt, %sign3A_173, %sign3A_175 : vector<256x1xf32>
    %sign3A_177 = arith.select %sign3A_176, %sign3A_172, %div3A_164 : vector<256x1xi1>, vector<256x1xf32>
    %abs3A_178 = math.absf %div3A_164 : vector<256x1xf32>
    %mul3A_179 = arith.mulf %div3A_164, %div3A_164 : vector<256x1xf32>
    %add3A_180 = arith.constant 1.000000e+00 : f32
    %add3A_181 = vector.broadcast %add3A_180 : f32 to vector<256x1xf32>
    %add3A_182 = arith.addf %mul3A_179, %add3A_181 : vector<256x1xf32>
    %sqrt3A_183 = math.sqrt %add3A_182 : vector<256x1xf32>
    %add3A_184 = arith.addf %abs3A_178, %sqrt3A_183 : vector<256x1xf32>
    %div3A_185 = arith.divf %sign3A_177, %add3A_184 : vector<256x1xf32>
    %eq3A_186 = arith.constant 0.000000e+00 : f32
    %eq3A_187 = vector.broadcast %eq3A_186 : f32 to vector<256x1xf32>
    %eq3A_188 = arith.cmpf oeq, %div3A_164, %eq3A_187 : vector<256x1xf32>
    %jit3A_189 = arith.constant 1.000000e+00 : f32
    %broadcast_in_dim3A_190 = vector.broadcast %jit3A_189 : f32 to vector<256x1xf32>
    %select_n3A_191 = arith.select %eq3A_188, %broadcast_in_dim3A_190, %div3A_185 : vector<256x1xi1>, vector<256x1xf32>
    %jit3A_192 = arith.constant 0.000000e+00 : f32
    %broadcast_in_dim3A_193 = vector.broadcast %jit3A_192 : f32 to vector<256x1xf32>
    %select_n3A_194 = arith.select %ne3A_156, %select_n3A_191, %broadcast_in_dim3A_193 : vector<256x1xi1>, vector<256x1xf32>
    %mul3A_195 = arith.mulf %select_n3A_194, %select_n3A_194 : vector<256x1xf32>
    %add3A_196 = arith.constant 1.000000e+00 : f32
    %add3A_197 = vector.broadcast %add3A_196 : f32 to vector<256x1xf32>
    %add3A_198 = arith.addf %mul3A_195, %add3A_197 : vector<256x1xf32>
    %rsqrt3A_199 = math.rsqrt %add3A_198 : vector<256x1xf32>
    %mul3A_200 = arith.mulf %select_n3A_194, %rsqrt3A_199 : vector<256x1xf32>
    %mul3A_201 = arith.mulf %select_n3A_194, %add3A_135 : vector<256x1xf32>
    %sub3A_202 = arith.subf %add3A_50, %mul3A_201 : vector<256x1xf32>
    %mul3A_203 = arith.mulf %select_n3A_194, %add3A_135 : vector<256x1xf32>
    %add3A_204 = arith.addf %add3A_127, %mul3A_203 : vector<256x1xf32>
    %broadcast_in_dim3A_205 = arith.constant 0.000000e+00 : f32
    %broadcast_in_dim3A_206 = vector.broadcast %broadcast_in_dim3A_205 : f32 to vector<256x1xf32>
    %mul3A_207 = arith.mulf %rsqrt3A_199, %sub3A_132 : vector<256x1xf32>
    %mul3A_208 = arith.mulf %mul3A_200, %broadcast_in_dim3A_129 : vector<256x1xf32>
    %sub3A_209 = arith.subf %mul3A_207, %mul3A_208 : vector<256x1xf32>
    %mul3A_210 = arith.mulf %mul3A_200, %sub3A_132 : vector<256x1xf32>
    %mul3A_211 = arith.mulf %rsqrt3A_199, %broadcast_in_dim3A_129 : vector<256x1xf32>
    %add3A_212 = arith.addf %mul3A_210, %mul3A_211 : vector<256x1xf32>
    %mul3A_213 = arith.mulf %rsqrt3A_199, %add3A_64 : vector<256x1xf32>
    %mul3A_214 = arith.mulf %mul3A_200, %add3A_141 : vector<256x1xf32>
    %sub3A_215 = arith.subf %mul3A_213, %mul3A_214 : vector<256x1xf32>
    %mul3A_216 = arith.mulf %mul3A_200, %add3A_64 : vector<256x1xf32>
    %mul3A_217 = arith.mulf %rsqrt3A_199, %add3A_141 : vector<256x1xf32>
    %add3A_218 = arith.addf %mul3A_216, %mul3A_217 : vector<256x1xf32>
    %mul3A_219 = arith.mulf %rsqrt3A_199, %add3A_70 : vector<256x1xf32>
    %mul3A_220 = arith.mulf %mul3A_200, %add3A_147 : vector<256x1xf32>
    %sub3A_221 = arith.subf %mul3A_219, %mul3A_220 : vector<256x1xf32>
    %mul3A_222 = arith.mulf %mul3A_200, %add3A_70 : vector<256x1xf32>
    %mul3A_223 = arith.mulf %rsqrt3A_199, %add3A_147 : vector<256x1xf32>
    %add3A_224 = arith.addf %mul3A_222, %mul3A_223 : vector<256x1xf32>
    %mul3A_225 = arith.mulf %rsqrt3A_199, %add3A_76 : vector<256x1xf32>
    %mul3A_226 = arith.mulf %mul3A_200, %add3A_153 : vector<256x1xf32>
    %sub3A_227 = arith.subf %mul3A_225, %mul3A_226 : vector<256x1xf32>
    %mul3A_228 = arith.mulf %mul3A_200, %add3A_76 : vector<256x1xf32>
    %mul3A_229 = arith.mulf %rsqrt3A_199, %add3A_153 : vector<256x1xf32>
    %add3A_230 = arith.addf %mul3A_228, %mul3A_229 : vector<256x1xf32>
    %ne3A_231 = arith.constant 0.000000e+00 : f32
    %ne3A_232 = vector.broadcast %ne3A_231 : f32 to vector<256x1xf32>
    %ne3A_233 = arith.cmpf one, %sub3A_209, %ne3A_232 : vector<256x1xf32>
    %jit3A_234 = arith.constant 1.000000e+00 : f32
    %broadcast_in_dim3A_235 = vector.broadcast %jit3A_234 : f32 to vector<256x1xf32>
    %select_n3A_236 = arith.select %ne3A_233, %sub3A_209, %broadcast_in_dim3A_235 : vector<256x1xi1>, vector<256x1xf32>
    %sub3A_237 = arith.subf %sub3A_202, %sub3A_125 : vector<256x1xf32>
    %mul3A_238 = arith.constant 2.000000e+00 : f32
    %mul3A_239 = vector.broadcast %mul3A_238 : f32 to vector<256x1xf32>
    %mul3A_240 = arith.mulf %mul3A_239, %select_n3A_236 : vector<256x1xf32>
    %div3A_241 = arith.divf %sub3A_237, %mul3A_240 : vector<256x1xf32>
    %sign3A_242 = tpu.bitcast %div3A_241 : vector<256x1xf32> -> vector<256x1xi32>
    %sign3A_243 = arith.constant -2147483648 : i32
    %sign3A_244 = vector.broadcast %sign3A_243 : i32 to vector<256x1xi32>
    %sign3A_245 = arith.andi %sign3A_242, %sign3A_244 : vector<256x1xi32>
    %sign3A_246 = arith.constant 1065353216 : i32
    %sign3A_247 = vector.broadcast %sign3A_246 : i32 to vector<256x1xi32>
    %sign3A_248 = arith.ori %sign3A_247, %sign3A_245 : vector<256x1xi32>
    %sign3A_249 = tpu.bitcast %sign3A_248 : vector<256x1xi32> -> vector<256x1xf32>
    %sign3A_250 = math.absf %div3A_241 : vector<256x1xf32>
    %sign3A_251 = arith.constant 0.000000e+00 : f32
    %sign3A_252 = vector.broadcast %sign3A_251 : f32 to vector<256x1xf32>
    %sign3A_253 = arith.cmpf ogt, %sign3A_250, %sign3A_252 : vector<256x1xf32>
    %sign3A_254 = arith.select %sign3A_253, %sign3A_249, %div3A_241 : vector<256x1xi1>, vector<256x1xf32>
    %abs3A_255 = math.absf %div3A_241 : vector<256x1xf32>
    %mul3A_256 = arith.mulf %div3A_241, %div3A_241 : vector<256x1xf32>
    %add3A_257 = arith.constant 1.000000e+00 : f32
    %add3A_258 = vector.broadcast %add3A_257 : f32 to vector<256x1xf32>
    %add3A_259 = arith.addf %mul3A_256, %add3A_258 : vector<256x1xf32>
    %sqrt3A_260 = math.sqrt %add3A_259 : vector<256x1xf32>
    %add3A_261 = arith.addf %abs3A_255, %sqrt3A_260 : vector<256x1xf32>
    %div3A_262 = arith.divf %sign3A_254, %add3A_261 : vector<256x1xf32>
    %eq3A_263 = arith.constant 0.000000e+00 : f32
    %eq3A_264 = vector.broadcast %eq3A_263 : f32 to vector<256x1xf32>
    %eq3A_265 = arith.cmpf oeq, %div3A_241, %eq3A_264 : vector<256x1xf32>
    %jit3A_266 = arith.constant 1.000000e+00 : f32
    %broadcast_in_dim3A_267 = vector.broadcast %jit3A_266 : f32 to vector<256x1xf32>
    %select_n3A_268 = arith.select %eq3A_265, %broadcast_in_dim3A_267, %div3A_262 : vector<256x1xi1>, vector<256x1xf32>
    %jit3A_269 = arith.constant 0.000000e+00 : f32
    %broadcast_in_dim3A_270 = vector.broadcast %jit3A_269 : f32 to vector<256x1xf32>
    %select_n3A_271 = arith.select %ne3A_233, %select_n3A_268, %broadcast_in_dim3A_270 : vector<256x1xi1>, vector<256x1xf32>
    %mul3A_272 = arith.mulf %select_n3A_271, %select_n3A_271 : vector<256x1xf32>
    %add3A_273 = arith.constant 1.000000e+00 : f32
    %add3A_274 = vector.broadcast %add3A_273 : f32 to vector<256x1xf32>
    %add3A_275 = arith.addf %mul3A_272, %add3A_274 : vector<256x1xf32>
    %rsqrt3A_276 = math.rsqrt %add3A_275 : vector<256x1xf32>
    %mul3A_277 = arith.mulf %select_n3A_271, %rsqrt3A_276 : vector<256x1xf32>
    %mul3A_278 = arith.mulf %select_n3A_271, %sub3A_209 : vector<256x1xf32>
    %sub3A_279 = arith.subf %sub3A_125, %mul3A_278 : vector<256x1xf32>
    %mul3A_280 = arith.mulf %select_n3A_271, %sub3A_209 : vector<256x1xf32>
    %add3A_281 = arith.addf %sub3A_202, %mul3A_280 : vector<256x1xf32>
    %broadcast_in_dim3A_282 = arith.constant 0.000000e+00 : f32
    %broadcast_in_dim3A_283 = vector.broadcast %broadcast_in_dim3A_282 : f32 to vector<256x1xf32>
    %mul3A_284 = arith.mulf %rsqrt3A_276, %add3A_212 : vector<256x1xf32>
    %mul3A_285 = arith.mulf %mul3A_277, %broadcast_in_dim3A_206 : vector<256x1xf32>
    %sub3A_286 = arith.subf %mul3A_284, %mul3A_285 : vector<256x1xf32>
    %mul3A_287 = arith.mulf %mul3A_277, %add3A_212 : vector<256x1xf32>
    %mul3A_288 = arith.mulf %rsqrt3A_276, %broadcast_in_dim3A_206 : vector<256x1xf32>
    %add3A_289 = arith.addf %mul3A_287, %mul3A_288 : vector<256x1xf32>
    %mul3A_290 = arith.mulf %rsqrt3A_276, %sub3A_138 : vector<256x1xf32>
    %mul3A_291 = arith.mulf %mul3A_277, %sub3A_215 : vector<256x1xf32>
    %sub3A_292 = arith.subf %mul3A_290, %mul3A_291 : vector<256x1xf32>
    %mul3A_293 = arith.mulf %mul3A_277, %sub3A_138 : vector<256x1xf32>
    %mul3A_294 = arith.mulf %rsqrt3A_276, %sub3A_215 : vector<256x1xf32>
    %add3A_295 = arith.addf %mul3A_293, %mul3A_294 : vector<256x1xf32>
    %mul3A_296 = arith.mulf %rsqrt3A_276, %sub3A_144 : vector<256x1xf32>
    %mul3A_297 = arith.mulf %mul3A_277, %sub3A_221 : vector<256x1xf32>
    %sub3A_298 = arith.subf %mul3A_296, %mul3A_297 : vector<256x1xf32>
    %mul3A_299 = arith.mulf %mul3A_277, %sub3A_144 : vector<256x1xf32>
    %mul3A_300 = arith.mulf %rsqrt3A_276, %sub3A_221 : vector<256x1xf32>
    %add3A_301 = arith.addf %mul3A_299, %mul3A_300 : vector<256x1xf32>
    %mul3A_302 = arith.mulf %rsqrt3A_276, %sub3A_150 : vector<256x1xf32>
    %mul3A_303 = arith.mulf %mul3A_277, %sub3A_227 : vector<256x1xf32>
    %sub3A_304 = arith.subf %mul3A_302, %mul3A_303 : vector<256x1xf32>
    %mul3A_305 = arith.mulf %mul3A_277, %sub3A_150 : vector<256x1xf32>
    %mul3A_306 = arith.mulf %rsqrt3A_276, %sub3A_227 : vector<256x1xf32>
    %add3A_307 = arith.addf %mul3A_305, %mul3A_306 : vector<256x1xf32>
    %ne3A_308 = arith.constant 0.000000e+00 : f32
    %ne3A_309 = vector.broadcast %ne3A_308 : f32 to vector<256x1xf32>
    %ne3A_310 = arith.cmpf one, %sub3A_286, %ne3A_309 : vector<256x1xf32>
    %jit3A_311 = arith.constant 1.000000e+00 : f32
    %broadcast_in_dim3A_312 = vector.broadcast %jit3A_311 : f32 to vector<256x1xf32>
    %select_n3A_313 = arith.select %ne3A_310, %sub3A_286, %broadcast_in_dim3A_312 : vector<256x1xi1>, vector<256x1xf32>
    %sub3A_314 = arith.subf %add3A_204, %sub3A_279 : vector<256x1xf32>
    %mul3A_315 = arith.constant 2.000000e+00 : f32
    %mul3A_316 = vector.broadcast %mul3A_315 : f32 to vector<256x1xf32>
    %mul3A_317 = arith.mulf %mul3A_316, %select_n3A_313 : vector<256x1xf32>
    %div3A_318 = arith.divf %sub3A_314, %mul3A_317 : vector<256x1xf32>
    %sign3A_319 = tpu.bitcast %div3A_318 : vector<256x1xf32> -> vector<256x1xi32>
    %sign3A_320 = arith.constant -2147483648 : i32
    %sign3A_321 = vector.broadcast %sign3A_320 : i32 to vector<256x1xi32>
    %sign3A_322 = arith.andi %sign3A_319, %sign3A_321 : vector<256x1xi32>
    %sign3A_323 = arith.constant 1065353216 : i32
    %sign3A_324 = vector.broadcast %sign3A_323 : i32 to vector<256x1xi32>
    %sign3A_325 = arith.ori %sign3A_324, %sign3A_322 : vector<256x1xi32>
    %sign3A_326 = tpu.bitcast %sign3A_325 : vector<256x1xi32> -> vector<256x1xf32>
    %sign3A_327 = math.absf %div3A_318 : vector<256x1xf32>
    %sign3A_328 = arith.constant 0.000000e+00 : f32
    %sign3A_329 = vector.broadcast %sign3A_328 : f32 to vector<256x1xf32>
    %sign3A_330 = arith.cmpf ogt, %sign3A_327, %sign3A_329 : vector<256x1xf32>
    %sign3A_331 = arith.select %sign3A_330, %sign3A_326, %div3A_318 : vector<256x1xi1>, vector<256x1xf32>
    %abs3A_332 = math.absf %div3A_318 : vector<256x1xf32>
    %mul3A_333 = arith.mulf %div3A_318, %div3A_318 : vector<256x1xf32>
    %add3A_334 = arith.constant 1.000000e+00 : f32
    %add3A_335 = vector.broadcast %add3A_334 : f32 to vector<256x1xf32>
    %add3A_336 = arith.addf %mul3A_333, %add3A_335 : vector<256x1xf32>
    %sqrt3A_337 = math.sqrt %add3A_336 : vector<256x1xf32>
    %add3A_338 = arith.addf %abs3A_332, %sqrt3A_337 : vector<256x1xf32>
    %div3A_339 = arith.divf %sign3A_331, %add3A_338 : vector<256x1xf32>
    %eq3A_340 = arith.constant 0.000000e+00 : f32
    %eq3A_341 = vector.broadcast %eq3A_340 : f32 to vector<256x1xf32>
    %eq3A_342 = arith.cmpf oeq, %div3A_318, %eq3A_341 : vector<256x1xf32>
    %jit3A_343 = arith.constant 1.000000e+00 : f32
    %broadcast_in_dim3A_344 = vector.broadcast %jit3A_343 : f32 to vector<256x1xf32>
    %select_n3A_345 = arith.select %eq3A_342, %broadcast_in_dim3A_344, %div3A_339 : vector<256x1xi1>, vector<256x1xf32>
    %jit3A_346 = arith.constant 0.000000e+00 : f32
    %broadcast_in_dim3A_347 = vector.broadcast %jit3A_346 : f32 to vector<256x1xf32>
    %select_n3A_348 = arith.select %ne3A_310, %select_n3A_345, %broadcast_in_dim3A_347 : vector<256x1xi1>, vector<256x1xf32>
    %mul3A_349 = arith.mulf %select_n3A_348, %select_n3A_348 : vector<256x1xf32>
    %add3A_350 = arith.constant 1.000000e+00 : f32
    %add3A_351 = vector.broadcast %add3A_350 : f32 to vector<256x1xf32>
    %add3A_352 = arith.addf %mul3A_349, %add3A_351 : vector<256x1xf32>
    %rsqrt3A_353 = math.rsqrt %add3A_352 : vector<256x1xf32>
    %mul3A_354 = arith.mulf %select_n3A_348, %rsqrt3A_353 : vector<256x1xf32>
    %mul3A_355 = arith.mulf %select_n3A_348, %sub3A_286 : vector<256x1xf32>
    %sub3A_356 = arith.subf %sub3A_279, %mul3A_355 : vector<256x1xf32>
    %mul3A_357 = arith.mulf %select_n3A_348, %sub3A_286 : vector<256x1xf32>
    %add3A_358 = arith.addf %add3A_204, %mul3A_357 : vector<256x1xf32>
    %broadcast_in_dim3A_359 = arith.constant 0.000000e+00 : f32
    %broadcast_in_dim3A_360 = vector.broadcast %broadcast_in_dim3A_359 : f32 to vector<256x1xf32>
    %mul3A_361 = arith.mulf %rsqrt3A_353, %broadcast_in_dim3A_283 : vector<256x1xf32>
    %mul3A_362 = arith.mulf %mul3A_354, %add3A_289 : vector<256x1xf32>
    %sub3A_363 = arith.subf %mul3A_361, %mul3A_362 : vector<256x1xf32>
    %mul3A_364 = arith.mulf %mul3A_354, %broadcast_in_dim3A_283 : vector<256x1xf32>
    %mul3A_365 = arith.mulf %rsqrt3A_353, %add3A_289 : vector<256x1xf32>
    %add3A_366 = arith.addf %mul3A_364, %mul3A_365 : vector<256x1xf32>
    %mul3A_367 = arith.mulf %rsqrt3A_353, %sub3A_292 : vector<256x1xf32>
    %mul3A_368 = arith.mulf %mul3A_354, %add3A_218 : vector<256x1xf32>
    %sub3A_369 = arith.subf %mul3A_367, %mul3A_368 : vector<256x1xf32>
    %mul3A_370 = arith.mulf %mul3A_354, %sub3A_292 : vector<256x1xf32>
    %mul3A_371 = arith.mulf %rsqrt3A_353, %add3A_218 : vector<256x1xf32>
    %add3A_372 = arith.addf %mul3A_370, %mul3A_371 : vector<256x1xf32>
    %mul3A_373 = arith.mulf %rsqrt3A_353, %sub3A_298 : vector<256x1xf32>
    %mul3A_374 = arith.mulf %mul3A_354, %add3A_224 : vector<256x1xf32>
    %sub3A_375 = arith.subf %mul3A_373, %mul3A_374 : vector<256x1xf32>
    %mul3A_376 = arith.mulf %mul3A_354, %sub3A_298 : vector<256x1xf32>
    %mul3A_377 = arith.mulf %rsqrt3A_353, %add3A_224 : vector<256x1xf32>
    %add3A_378 = arith.addf %mul3A_376, %mul3A_377 : vector<256x1xf32>
    %mul3A_379 = arith.mulf %rsqrt3A_353, %sub3A_304 : vector<256x1xf32>
    %mul3A_380 = arith.mulf %mul3A_354, %add3A_230 : vector<256x1xf32>
    %sub3A_381 = arith.subf %mul3A_379, %mul3A_380 : vector<256x1xf32>
    %mul3A_382 = arith.mulf %mul3A_354, %sub3A_304 : vector<256x1xf32>
    %mul3A_383 = arith.mulf %rsqrt3A_353, %add3A_230 : vector<256x1xf32>
    %add3A_384 = arith.addf %mul3A_382, %mul3A_383 : vector<256x1xf32>
    %ne3A_385 = arith.constant 0.000000e+00 : f32
    %ne3A_386 = vector.broadcast %ne3A_385 : f32 to vector<256x1xf32>
    %ne3A_387 = arith.cmpf one, %add3A_366, %ne3A_386 : vector<256x1xf32>
    %jit3A_388 = arith.constant 1.000000e+00 : f32
    %broadcast_in_dim3A_389 = vector.broadcast %jit3A_388 : f32 to vector<256x1xf32>
    %select_n3A_390 = arith.select %ne3A_387, %add3A_366, %broadcast_in_dim3A_389 : vector<256x1xi1>, vector<256x1xf32>
    %sub3A_391 = arith.subf %add3A_358, %add3A_281 : vector<256x1xf32>
    %mul3A_392 = arith.constant 2.000000e+00 : f32
    %mul3A_393 = vector.broadcast %mul3A_392 : f32 to vector<256x1xf32>
    %mul3A_394 = arith.mulf %mul3A_393, %select_n3A_390 : vector<256x1xf32>
    %div3A_395 = arith.divf %sub3A_391, %mul3A_394 : vector<256x1xf32>
    %sign3A_396 = tpu.bitcast %div3A_395 : vector<256x1xf32> -> vector<256x1xi32>
    %sign3A_397 = arith.constant -2147483648 : i32
    %sign3A_398 = vector.broadcast %sign3A_397 : i32 to vector<256x1xi32>
    %sign3A_399 = arith.andi %sign3A_396, %sign3A_398 : vector<256x1xi32>
    %sign3A_400 = arith.constant 1065353216 : i32
    %sign3A_401 = vector.broadcast %sign3A_400 : i32 to vector<256x1xi32>
    %sign3A_402 = arith.ori %sign3A_401, %sign3A_399 : vector<256x1xi32>
    %sign3A_403 = tpu.bitcast %sign3A_402 : vector<256x1xi32> -> vector<256x1xf32>
    %sign3A_404 = math.absf %div3A_395 : vector<256x1xf32>
    %sign3A_405 = arith.constant 0.000000e+00 : f32
    %sign3A_406 = vector.broadcast %sign3A_405 : f32 to vector<256x1xf32>
    %sign3A_407 = arith.cmpf ogt, %sign3A_404, %sign3A_406 : vector<256x1xf32>
    %sign3A_408 = arith.select %sign3A_407, %sign3A_403, %div3A_395 : vector<256x1xi1>, vector<256x1xf32>
    %abs3A_409 = math.absf %div3A_395 : vector<256x1xf32>
    %mul3A_410 = arith.mulf %div3A_395, %div3A_395 : vector<256x1xf32>
    %add3A_411 = arith.constant 1.000000e+00 : f32
    %add3A_412 = vector.broadcast %add3A_411 : f32 to vector<256x1xf32>
    %add3A_413 = arith.addf %mul3A_410, %add3A_412 : vector<256x1xf32>
    %sqrt3A_414 = math.sqrt %add3A_413 : vector<256x1xf32>
    %add3A_415 = arith.addf %abs3A_409, %sqrt3A_414 : vector<256x1xf32>
    %div3A_416 = arith.divf %sign3A_408, %add3A_415 : vector<256x1xf32>
    %eq3A_417 = arith.constant 0.000000e+00 : f32
    %eq3A_418 = vector.broadcast %eq3A_417 : f32 to vector<256x1xf32>
    %eq3A_419 = arith.cmpf oeq, %div3A_395, %eq3A_418 : vector<256x1xf32>
    %jit3A_420 = arith.constant 1.000000e+00 : f32
    %broadcast_in_dim3A_421 = vector.broadcast %jit3A_420 : f32 to vector<256x1xf32>
    %select_n3A_422 = arith.select %eq3A_419, %broadcast_in_dim3A_421, %div3A_416 : vector<256x1xi1>, vector<256x1xf32>
    %jit3A_423 = arith.constant 0.000000e+00 : f32
    %broadcast_in_dim3A_424 = vector.broadcast %jit3A_423 : f32 to vector<256x1xf32>
    %select_n3A_425 = arith.select %ne3A_387, %select_n3A_422, %broadcast_in_dim3A_424 : vector<256x1xi1>, vector<256x1xf32>
    %mul3A_426 = arith.mulf %select_n3A_425, %select_n3A_425 : vector<256x1xf32>
    %add3A_427 = arith.constant 1.000000e+00 : f32
    %add3A_428 = vector.broadcast %add3A_427 : f32 to vector<256x1xf32>
    %add3A_429 = arith.addf %mul3A_426, %add3A_428 : vector<256x1xf32>
    %rsqrt3A_430 = math.rsqrt %add3A_429 : vector<256x1xf32>
    %mul3A_431 = arith.mulf %select_n3A_425, %rsqrt3A_430 : vector<256x1xf32>
    %mul3A_432 = arith.mulf %select_n3A_425, %add3A_366 : vector<256x1xf32>
    %sub3A_433 = arith.subf %add3A_281, %mul3A_432 : vector<256x1xf32>
    %mul3A_434 = arith.mulf %select_n3A_425, %add3A_366 : vector<256x1xf32>
    %add3A_435 = arith.addf %add3A_358, %mul3A_434 : vector<256x1xf32>
    %broadcast_in_dim3A_436 = arith.constant 0.000000e+00 : f32
    %broadcast_in_dim3A_437 = vector.broadcast %broadcast_in_dim3A_436 : f32 to vector<256x1xf32>
    %mul3A_438 = arith.mulf %rsqrt3A_430, %sub3A_363 : vector<256x1xf32>
    %mul3A_439 = arith.mulf %mul3A_431, %broadcast_in_dim3A_360 : vector<256x1xf32>
    %sub3A_440 = arith.subf %mul3A_438, %mul3A_439 : vector<256x1xf32>
    %mul3A_441 = arith.mulf %mul3A_431, %sub3A_363 : vector<256x1xf32>
    %mul3A_442 = arith.mulf %rsqrt3A_430, %broadcast_in_dim3A_360 : vector<256x1xf32>
    %add3A_443 = arith.addf %mul3A_441, %mul3A_442 : vector<256x1xf32>
    %mul3A_444 = arith.mulf %rsqrt3A_430, %add3A_295 : vector<256x1xf32>
    %mul3A_445 = arith.mulf %mul3A_431, %add3A_372 : vector<256x1xf32>
    %sub3A_446 = arith.subf %mul3A_444, %mul3A_445 : vector<256x1xf32>
    %mul3A_447 = arith.mulf %mul3A_431, %add3A_295 : vector<256x1xf32>
    %mul3A_448 = arith.mulf %rsqrt3A_430, %add3A_372 : vector<256x1xf32>
    %add3A_449 = arith.addf %mul3A_447, %mul3A_448 : vector<256x1xf32>
    %mul3A_450 = arith.mulf %rsqrt3A_430, %add3A_301 : vector<256x1xf32>
    %mul3A_451 = arith.mulf %mul3A_431, %add3A_378 : vector<256x1xf32>
    %sub3A_452 = arith.subf %mul3A_450, %mul3A_451 : vector<256x1xf32>
    %mul3A_453 = arith.mulf %mul3A_431, %add3A_301 : vector<256x1xf32>
    %mul3A_454 = arith.mulf %rsqrt3A_430, %add3A_378 : vector<256x1xf32>
    %add3A_455 = arith.addf %mul3A_453, %mul3A_454 : vector<256x1xf32>
    %mul3A_456 = arith.mulf %rsqrt3A_430, %add3A_307 : vector<256x1xf32>
    %mul3A_457 = arith.mulf %mul3A_431, %add3A_384 : vector<256x1xf32>
    %sub3A_458 = arith.subf %mul3A_456, %mul3A_457 : vector<256x1xf32>
    %mul3A_459 = arith.mulf %mul3A_431, %add3A_307 : vector<256x1xf32>
    %mul3A_460 = arith.mulf %rsqrt3A_430, %add3A_384 : vector<256x1xf32>
    %add3A_461 = arith.addf %mul3A_459, %mul3A_460 : vector<256x1xf32>
    %ne3A_462 = arith.constant 0.000000e+00 : f32
    %ne3A_463 = vector.broadcast %ne3A_462 : f32 to vector<256x1xf32>
    %ne3A_464 = arith.cmpf one, %sub3A_440, %ne3A_463 : vector<256x1xf32>
    %jit3A_465 = arith.constant 1.000000e+00 : f32
    %broadcast_in_dim3A_466 = vector.broadcast %jit3A_465 : f32 to vector<256x1xf32>
    %select_n3A_467 = arith.select %ne3A_464, %sub3A_440, %broadcast_in_dim3A_466 : vector<256x1xi1>, vector<256x1xf32>
    %sub3A_468 = arith.subf %sub3A_433, %sub3A_356 : vector<256x1xf32>
    %mul3A_469 = arith.constant 2.000000e+00 : f32
    %mul3A_470 = vector.broadcast %mul3A_469 : f32 to vector<256x1xf32>
    %mul3A_471 = arith.mulf %mul3A_470, %select_n3A_467 : vector<256x1xf32>
    %div3A_472 = arith.divf %sub3A_468, %mul3A_471 : vector<256x1xf32>
    %sign3A_473 = tpu.bitcast %div3A_472 : vector<256x1xf32> -> vector<256x1xi32>
    %sign3A_474 = arith.constant -2147483648 : i32
    %sign3A_475 = vector.broadcast %sign3A_474 : i32 to vector<256x1xi32>
    %sign3A_476 = arith.andi %sign3A_473, %sign3A_475 : vector<256x1xi32>
    %sign3A_477 = arith.constant 1065353216 : i32
    %sign3A_478 = vector.broadcast %sign3A_477 : i32 to vector<256x1xi32>
    %sign3A_479 = arith.ori %sign3A_478, %sign3A_476 : vector<256x1xi32>
    %sign3A_480 = tpu.bitcast %sign3A_479 : vector<256x1xi32> -> vector<256x1xf32>
    %sign3A_481 = math.absf %div3A_472 : vector<256x1xf32>
    %sign3A_482 = arith.constant 0.000000e+00 : f32
    %sign3A_483 = vector.broadcast %sign3A_482 : f32 to vector<256x1xf32>
    %sign3A_484 = arith.cmpf ogt, %sign3A_481, %sign3A_483 : vector<256x1xf32>
    %sign3A_485 = arith.select %sign3A_484, %sign3A_480, %div3A_472 : vector<256x1xi1>, vector<256x1xf32>
    %abs3A_486 = math.absf %div3A_472 : vector<256x1xf32>
    %mul3A_487 = arith.mulf %div3A_472, %div3A_472 : vector<256x1xf32>
    %add3A_488 = arith.constant 1.000000e+00 : f32
    %add3A_489 = vector.broadcast %add3A_488 : f32 to vector<256x1xf32>
    %add3A_490 = arith.addf %mul3A_487, %add3A_489 : vector<256x1xf32>
    %sqrt3A_491 = math.sqrt %add3A_490 : vector<256x1xf32>
    %add3A_492 = arith.addf %abs3A_486, %sqrt3A_491 : vector<256x1xf32>
    %div3A_493 = arith.divf %sign3A_485, %add3A_492 : vector<256x1xf32>
    %eq3A_494 = arith.constant 0.000000e+00 : f32
    %eq3A_495 = vector.broadcast %eq3A_494 : f32 to vector<256x1xf32>
    %eq3A_496 = arith.cmpf oeq, %div3A_472, %eq3A_495 : vector<256x1xf32>
    %jit3A_497 = arith.constant 1.000000e+00 : f32
    %broadcast_in_dim3A_498 = vector.broadcast %jit3A_497 : f32 to vector<256x1xf32>
    %select_n3A_499 = arith.select %eq3A_496, %broadcast_in_dim3A_498, %div3A_493 : vector<256x1xi1>, vector<256x1xf32>
    %jit3A_500 = arith.constant 0.000000e+00 : f32
    %broadcast_in_dim3A_501 = vector.broadcast %jit3A_500 : f32 to vector<256x1xf32>
    %select_n3A_502 = arith.select %ne3A_464, %select_n3A_499, %broadcast_in_dim3A_501 : vector<256x1xi1>, vector<256x1xf32>
    %mul3A_503 = arith.mulf %select_n3A_502, %select_n3A_502 : vector<256x1xf32>
    %add3A_504 = arith.constant 1.000000e+00 : f32
    %add3A_505 = vector.broadcast %add3A_504 : f32 to vector<256x1xf32>
    %add3A_506 = arith.addf %mul3A_503, %add3A_505 : vector<256x1xf32>
    %rsqrt3A_507 = math.rsqrt %add3A_506 : vector<256x1xf32>
    %mul3A_508 = arith.mulf %select_n3A_502, %rsqrt3A_507 : vector<256x1xf32>
    %mul3A_509 = arith.mulf %select_n3A_502, %sub3A_440 : vector<256x1xf32>
    %sub3A_510 = arith.subf %sub3A_356, %mul3A_509 : vector<256x1xf32>
    %mul3A_511 = arith.mulf %select_n3A_502, %sub3A_440 : vector<256x1xf32>
    %add3A_512 = arith.addf %sub3A_433, %mul3A_511 : vector<256x1xf32>
    %broadcast_in_dim3A_513 = arith.constant 0.000000e+00 : f32
    %broadcast_in_dim3A_514 = vector.broadcast %broadcast_in_dim3A_513 : f32 to vector<256x1xf32>
    %mul3A_515 = arith.mulf %rsqrt3A_507, %add3A_443 : vector<256x1xf32>
    %mul3A_516 = arith.mulf %mul3A_508, %broadcast_in_dim3A_437 : vector<256x1xf32>
    %sub3A_517 = arith.subf %mul3A_515, %mul3A_516 : vector<256x1xf32>
    %mul3A_518 = arith.mulf %mul3A_508, %add3A_443 : vector<256x1xf32>
    %mul3A_519 = arith.mulf %rsqrt3A_507, %broadcast_in_dim3A_437 : vector<256x1xf32>
    %add3A_520 = arith.addf %mul3A_518, %mul3A_519 : vector<256x1xf32>
    %mul3A_521 = arith.mulf %rsqrt3A_507, %sub3A_369 : vector<256x1xf32>
    %mul3A_522 = arith.mulf %mul3A_508, %sub3A_446 : vector<256x1xf32>
    %sub3A_523 = arith.subf %mul3A_521, %mul3A_522 : vector<256x1xf32>
    %mul3A_524 = arith.mulf %mul3A_508, %sub3A_369 : vector<256x1xf32>
    %mul3A_525 = arith.mulf %rsqrt3A_507, %sub3A_446 : vector<256x1xf32>
    %add3A_526 = arith.addf %mul3A_524, %mul3A_525 : vector<256x1xf32>
    %mul3A_527 = arith.mulf %rsqrt3A_507, %sub3A_375 : vector<256x1xf32>
    %mul3A_528 = arith.mulf %mul3A_508, %sub3A_452 : vector<256x1xf32>
    %sub3A_529 = arith.subf %mul3A_527, %mul3A_528 : vector<256x1xf32>
    %mul3A_530 = arith.mulf %mul3A_508, %sub3A_375 : vector<256x1xf32>
    %mul3A_531 = arith.mulf %rsqrt3A_507, %sub3A_452 : vector<256x1xf32>
    %add3A_532 = arith.addf %mul3A_530, %mul3A_531 : vector<256x1xf32>
    %mul3A_533 = arith.mulf %rsqrt3A_507, %sub3A_381 : vector<256x1xf32>
    %mul3A_534 = arith.mulf %mul3A_508, %sub3A_458 : vector<256x1xf32>
    %sub3A_535 = arith.subf %mul3A_533, %mul3A_534 : vector<256x1xf32>
    %mul3A_536 = arith.mulf %mul3A_508, %sub3A_381 : vector<256x1xf32>
    %mul3A_537 = arith.mulf %rsqrt3A_507, %sub3A_458 : vector<256x1xf32>
    %add3A_538 = arith.addf %mul3A_536, %mul3A_537 : vector<256x1xf32>
    %ne3A_539 = arith.constant 0.000000e+00 : f32
    %ne3A_540 = vector.broadcast %ne3A_539 : f32 to vector<256x1xf32>
    %ne3A_541 = arith.cmpf one, %sub3A_517, %ne3A_540 : vector<256x1xf32>
    %jit3A_542 = arith.constant 1.000000e+00 : f32
    %broadcast_in_dim3A_543 = vector.broadcast %jit3A_542 : f32 to vector<256x1xf32>
    %select_n3A_544 = arith.select %ne3A_541, %sub3A_517, %broadcast_in_dim3A_543 : vector<256x1xi1>, vector<256x1xf32>
    %sub3A_545 = arith.subf %add3A_435, %sub3A_510 : vector<256x1xf32>
    %mul3A_546 = arith.constant 2.000000e+00 : f32
    %mul3A_547 = vector.broadcast %mul3A_546 : f32 to vector<256x1xf32>
    %mul3A_548 = arith.mulf %mul3A_547, %select_n3A_544 : vector<256x1xf32>
    %div3A_549 = arith.divf %sub3A_545, %mul3A_548 : vector<256x1xf32>
    %sign3A_550 = tpu.bitcast %div3A_549 : vector<256x1xf32> -> vector<256x1xi32>
    %sign3A_551 = arith.constant -2147483648 : i32
    %sign3A_552 = vector.broadcast %sign3A_551 : i32 to vector<256x1xi32>
    %sign3A_553 = arith.andi %sign3A_550, %sign3A_552 : vector<256x1xi32>
    %sign3A_554 = arith.constant 1065353216 : i32
    %sign3A_555 = vector.broadcast %sign3A_554 : i32 to vector<256x1xi32>
    %sign3A_556 = arith.ori %sign3A_555, %sign3A_553 : vector<256x1xi32>
    %sign3A_557 = tpu.bitcast %sign3A_556 : vector<256x1xi32> -> vector<256x1xf32>
    %sign3A_558 = math.absf %div3A_549 : vector<256x1xf32>
    %sign3A_559 = arith.constant 0.000000e+00 : f32
    %sign3A_560 = vector.broadcast %sign3A_559 : f32 to vector<256x1xf32>
    %sign3A_561 = arith.cmpf ogt, %sign3A_558, %sign3A_560 : vector<256x1xf32>
    %sign3A_562 = arith.select %sign3A_561, %sign3A_557, %div3A_549 : vector<256x1xi1>, vector<256x1xf32>
    %abs3A_563 = math.absf %div3A_549 : vector<256x1xf32>
    %mul3A_564 = arith.mulf %div3A_549, %div3A_549 : vector<256x1xf32>
    %add3A_565 = arith.constant 1.000000e+00 : f32
    %add3A_566 = vector.broadcast %add3A_565 : f32 to vector<256x1xf32>
    %add3A_567 = arith.addf %mul3A_564, %add3A_566 : vector<256x1xf32>
    %sqrt3A_568 = math.sqrt %add3A_567 : vector<256x1xf32>
    %add3A_569 = arith.addf %abs3A_563, %sqrt3A_568 : vector<256x1xf32>
    %div3A_570 = arith.divf %sign3A_562, %add3A_569 : vector<256x1xf32>
    %eq3A_571 = arith.constant 0.000000e+00 : f32
    %eq3A_572 = vector.broadcast %eq3A_571 : f32 to vector<256x1xf32>
    %eq3A_573 = arith.cmpf oeq, %div3A_549, %eq3A_572 : vector<256x1xf32>
    %jit3A_574 = arith.constant 1.000000e+00 : f32
    %broadcast_in_dim3A_575 = vector.broadcast %jit3A_574 : f32 to vector<256x1xf32>
    %select_n3A_576 = arith.select %eq3A_573, %broadcast_in_dim3A_575, %div3A_570 : vector<256x1xi1>, vector<256x1xf32>
    %jit3A_577 = arith.constant 0.000000e+00 : f32
    %broadcast_in_dim3A_578 = vector.broadcast %jit3A_577 : f32 to vector<256x1xf32>
    %select_n3A_579 = arith.select %ne3A_541, %select_n3A_576, %broadcast_in_dim3A_578 : vector<256x1xi1>, vector<256x1xf32>
    %mul3A_580 = arith.mulf %select_n3A_579, %select_n3A_579 : vector<256x1xf32>
    %add3A_581 = arith.constant 1.000000e+00 : f32
    %add3A_582 = vector.broadcast %add3A_581 : f32 to vector<256x1xf32>
    %add3A_583 = arith.addf %mul3A_580, %add3A_582 : vector<256x1xf32>
    %rsqrt3A_584 = math.rsqrt %add3A_583 : vector<256x1xf32>
    %mul3A_585 = arith.mulf %select_n3A_579, %rsqrt3A_584 : vector<256x1xf32>
    %mul3A_586 = arith.mulf %select_n3A_579, %sub3A_517 : vector<256x1xf32>
    %sub3A_587 = arith.subf %sub3A_510, %mul3A_586 : vector<256x1xf32>
    %mul3A_588 = arith.mulf %select_n3A_579, %sub3A_517 : vector<256x1xf32>
    %add3A_589 = arith.addf %add3A_435, %mul3A_588 : vector<256x1xf32>
    %broadcast_in_dim3A_590 = arith.constant 0.000000e+00 : f32
    %broadcast_in_dim3A_591 = vector.broadcast %broadcast_in_dim3A_590 : f32 to vector<256x1xf32>
    %mul3A_592 = arith.mulf %rsqrt3A_584, %broadcast_in_dim3A_514 : vector<256x1xf32>
    %mul3A_593 = arith.mulf %mul3A_585, %add3A_520 : vector<256x1xf32>
    %sub3A_594 = arith.subf %mul3A_592, %mul3A_593 : vector<256x1xf32>
    %mul3A_595 = arith.mulf %mul3A_585, %broadcast_in_dim3A_514 : vector<256x1xf32>
    %mul3A_596 = arith.mulf %rsqrt3A_584, %add3A_520 : vector<256x1xf32>
    %add3A_597 = arith.addf %mul3A_595, %mul3A_596 : vector<256x1xf32>
    %mul3A_598 = arith.mulf %rsqrt3A_584, %sub3A_523 : vector<256x1xf32>
    %mul3A_599 = arith.mulf %mul3A_585, %add3A_449 : vector<256x1xf32>
    %sub3A_600 = arith.subf %mul3A_598, %mul3A_599 : vector<256x1xf32>
    %mul3A_601 = arith.mulf %mul3A_585, %sub3A_523 : vector<256x1xf32>
    %mul3A_602 = arith.mulf %rsqrt3A_584, %add3A_449 : vector<256x1xf32>
    %add3A_603 = arith.addf %mul3A_601, %mul3A_602 : vector<256x1xf32>
    %mul3A_604 = arith.mulf %rsqrt3A_584, %sub3A_529 : vector<256x1xf32>
    %mul3A_605 = arith.mulf %mul3A_585, %add3A_455 : vector<256x1xf32>
    %sub3A_606 = arith.subf %mul3A_604, %mul3A_605 : vector<256x1xf32>
    %mul3A_607 = arith.mulf %mul3A_585, %sub3A_529 : vector<256x1xf32>
    %mul3A_608 = arith.mulf %rsqrt3A_584, %add3A_455 : vector<256x1xf32>
    %add3A_609 = arith.addf %mul3A_607, %mul3A_608 : vector<256x1xf32>
    %mul3A_610 = arith.mulf %rsqrt3A_584, %sub3A_535 : vector<256x1xf32>
    %mul3A_611 = arith.mulf %mul3A_585, %add3A_461 : vector<256x1xf32>
    %sub3A_612 = arith.subf %mul3A_610, %mul3A_611 : vector<256x1xf32>
    %mul3A_613 = arith.mulf %mul3A_585, %sub3A_535 : vector<256x1xf32>
    %mul3A_614 = arith.mulf %rsqrt3A_584, %add3A_461 : vector<256x1xf32>
    %add3A_615 = arith.addf %mul3A_613, %mul3A_614 : vector<256x1xf32>
    %ne3A_616 = arith.constant 0.000000e+00 : f32
    %ne3A_617 = vector.broadcast %ne3A_616 : f32 to vector<256x1xf32>
    %ne3A_618 = arith.cmpf one, %add3A_597, %ne3A_617 : vector<256x1xf32>
    %jit3A_619 = arith.constant 1.000000e+00 : f32
    %broadcast_in_dim3A_620 = vector.broadcast %jit3A_619 : f32 to vector<256x1xf32>
    %select_n3A_621 = arith.select %ne3A_618, %add3A_597, %broadcast_in_dim3A_620 : vector<256x1xi1>, vector<256x1xf32>
    %sub3A_622 = arith.subf %add3A_589, %add3A_512 : vector<256x1xf32>
    %mul3A_623 = arith.constant 2.000000e+00 : f32
    %mul3A_624 = vector.broadcast %mul3A_623 : f32 to vector<256x1xf32>
    %mul3A_625 = arith.mulf %mul3A_624, %select_n3A_621 : vector<256x1xf32>
    %div3A_626 = arith.divf %sub3A_622, %mul3A_625 : vector<256x1xf32>
    %sign3A_627 = tpu.bitcast %div3A_626 : vector<256x1xf32> -> vector<256x1xi32>
    %sign3A_628 = arith.constant -2147483648 : i32
    %sign3A_629 = vector.broadcast %sign3A_628 : i32 to vector<256x1xi32>
    %sign3A_630 = arith.andi %sign3A_627, %sign3A_629 : vector<256x1xi32>
    %sign3A_631 = arith.constant 1065353216 : i32
    %sign3A_632 = vector.broadcast %sign3A_631 : i32 to vector<256x1xi32>
    %sign3A_633 = arith.ori %sign3A_632, %sign3A_630 : vector<256x1xi32>
    %sign3A_634 = tpu.bitcast %sign3A_633 : vector<256x1xi32> -> vector<256x1xf32>
    %sign3A_635 = math.absf %div3A_626 : vector<256x1xf32>
    %sign3A_636 = arith.constant 0.000000e+00 : f32
    %sign3A_637 = vector.broadcast %sign3A_636 : f32 to vector<256x1xf32>
    %sign3A_638 = arith.cmpf ogt, %sign3A_635, %sign3A_637 : vector<256x1xf32>
    %sign3A_639 = arith.select %sign3A_638, %sign3A_634, %div3A_626 : vector<256x1xi1>, vector<256x1xf32>
    %abs3A_640 = math.absf %div3A_626 : vector<256x1xf32>
    %mul3A_641 = arith.mulf %div3A_626, %div3A_626 : vector<256x1xf32>
    %add3A_642 = arith.constant 1.000000e+00 : f32
    %add3A_643 = vector.broadcast %add3A_642 : f32 to vector<256x1xf32>
    %add3A_644 = arith.addf %mul3A_641, %add3A_643 : vector<256x1xf32>
    %sqrt3A_645 = math.sqrt %add3A_644 : vector<256x1xf32>
    %add3A_646 = arith.addf %abs3A_640, %sqrt3A_645 : vector<256x1xf32>
    %div3A_647 = arith.divf %sign3A_639, %add3A_646 : vector<256x1xf32>
    %eq3A_648 = arith.constant 0.000000e+00 : f32
    %eq3A_649 = vector.broadcast %eq3A_648 : f32 to vector<256x1xf32>
    %eq3A_650 = arith.cmpf oeq, %div3A_626, %eq3A_649 : vector<256x1xf32>
    %jit3A_651 = arith.constant 1.000000e+00 : f32
    %broadcast_in_dim3A_652 = vector.broadcast %jit3A_651 : f32 to vector<256x1xf32>
    %select_n3A_653 = arith.select %eq3A_650, %broadcast_in_dim3A_652, %div3A_647 : vector<256x1xi1>, vector<256x1xf32>
    %jit3A_654 = arith.constant 0.000000e+00 : f32
    %broadcast_in_dim3A_655 = vector.broadcast %jit3A_654 : f32 to vector<256x1xf32>
    %select_n3A_656 = arith.select %ne3A_618, %select_n3A_653, %broadcast_in_dim3A_655 : vector<256x1xi1>, vector<256x1xf32>
    %mul3A_657 = arith.mulf %select_n3A_656, %select_n3A_656 : vector<256x1xf32>
    %add3A_658 = arith.constant 1.000000e+00 : f32
    %add3A_659 = vector.broadcast %add3A_658 : f32 to vector<256x1xf32>
    %add3A_660 = arith.addf %mul3A_657, %add3A_659 : vector<256x1xf32>
    %rsqrt3A_661 = math.rsqrt %add3A_660 : vector<256x1xf32>
    %mul3A_662 = arith.mulf %select_n3A_656, %rsqrt3A_661 : vector<256x1xf32>
    %mul3A_663 = arith.mulf %select_n3A_656, %add3A_597 : vector<256x1xf32>
    %sub3A_664 = arith.subf %add3A_512, %mul3A_663 : vector<256x1xf32>
    %mul3A_665 = arith.mulf %select_n3A_656, %add3A_597 : vector<256x1xf32>
    %add3A_666 = arith.addf %add3A_589, %mul3A_665 : vector<256x1xf32>
    %broadcast_in_dim3A_667 = arith.constant 0.000000e+00 : f32
    %broadcast_in_dim3A_668 = vector.broadcast %broadcast_in_dim3A_667 : f32 to vector<256x1xf32>
    %mul3A_669 = arith.mulf %rsqrt3A_661, %sub3A_594 : vector<256x1xf32>
    %mul3A_670 = arith.mulf %mul3A_662, %broadcast_in_dim3A_591 : vector<256x1xf32>
    %sub3A_671 = arith.subf %mul3A_669, %mul3A_670 : vector<256x1xf32>
    %mul3A_672 = arith.mulf %mul3A_662, %sub3A_594 : vector<256x1xf32>
    %mul3A_673 = arith.mulf %rsqrt3A_661, %broadcast_in_dim3A_591 : vector<256x1xf32>
    %add3A_674 = arith.addf %mul3A_672, %mul3A_673 : vector<256x1xf32>
    %mul3A_675 = arith.mulf %rsqrt3A_661, %add3A_526 : vector<256x1xf32>
    %mul3A_676 = arith.mulf %mul3A_662, %add3A_603 : vector<256x1xf32>
    %sub3A_677 = arith.subf %mul3A_675, %mul3A_676 : vector<256x1xf32>
    %mul3A_678 = arith.mulf %mul3A_662, %add3A_526 : vector<256x1xf32>
    %mul3A_679 = arith.mulf %rsqrt3A_661, %add3A_603 : vector<256x1xf32>
    %add3A_680 = arith.addf %mul3A_678, %mul3A_679 : vector<256x1xf32>
    %mul3A_681 = arith.mulf %rsqrt3A_661, %add3A_532 : vector<256x1xf32>
    %mul3A_682 = arith.mulf %mul3A_662, %add3A_609 : vector<256x1xf32>
    %sub3A_683 = arith.subf %mul3A_681, %mul3A_682 : vector<256x1xf32>
    %mul3A_684 = arith.mulf %mul3A_662, %add3A_532 : vector<256x1xf32>
    %mul3A_685 = arith.mulf %rsqrt3A_661, %add3A_609 : vector<256x1xf32>
    %add3A_686 = arith.addf %mul3A_684, %mul3A_685 : vector<256x1xf32>
    %mul3A_687 = arith.mulf %rsqrt3A_661, %add3A_538 : vector<256x1xf32>
    %mul3A_688 = arith.mulf %mul3A_662, %add3A_615 : vector<256x1xf32>
    %sub3A_689 = arith.subf %mul3A_687, %mul3A_688 : vector<256x1xf32>
    %mul3A_690 = arith.mulf %mul3A_662, %add3A_538 : vector<256x1xf32>
    %mul3A_691 = arith.mulf %rsqrt3A_661, %add3A_615 : vector<256x1xf32>
    %add3A_692 = arith.addf %mul3A_690, %mul3A_691 : vector<256x1xf32>
    %ne3A_693 = arith.constant 0.000000e+00 : f32
    %ne3A_694 = vector.broadcast %ne3A_693 : f32 to vector<256x1xf32>
    %ne3A_695 = arith.cmpf one, %sub3A_671, %ne3A_694 : vector<256x1xf32>
    %jit3A_696 = arith.constant 1.000000e+00 : f32
    %broadcast_in_dim3A_697 = vector.broadcast %jit3A_696 : f32 to vector<256x1xf32>
    %select_n3A_698 = arith.select %ne3A_695, %sub3A_671, %broadcast_in_dim3A_697 : vector<256x1xi1>, vector<256x1xf32>
    %sub3A_699 = arith.subf %sub3A_664, %sub3A_587 : vector<256x1xf32>
    %mul3A_700 = arith.constant 2.000000e+00 : f32
    %mul3A_701 = vector.broadcast %mul3A_700 : f32 to vector<256x1xf32>
    %mul3A_702 = arith.mulf %mul3A_701, %select_n3A_698 : vector<256x1xf32>
    %div3A_703 = arith.divf %sub3A_699, %mul3A_702 : vector<256x1xf32>
    %sign3A_704 = tpu.bitcast %div3A_703 : vector<256x1xf32> -> vector<256x1xi32>
    %sign3A_705 = arith.constant -2147483648 : i32
    %sign3A_706 = vector.broadcast %sign3A_705 : i32 to vector<256x1xi32>
    %sign3A_707 = arith.andi %sign3A_704, %sign3A_706 : vector<256x1xi32>
    %sign3A_708 = arith.constant 1065353216 : i32
    %sign3A_709 = vector.broadcast %sign3A_708 : i32 to vector<256x1xi32>
    %sign3A_710 = arith.ori %sign3A_709, %sign3A_707 : vector<256x1xi32>
    %sign3A_711 = tpu.bitcast %sign3A_710 : vector<256x1xi32> -> vector<256x1xf32>
    %sign3A_712 = math.absf %div3A_703 : vector<256x1xf32>
    %sign3A_713 = arith.constant 0.000000e+00 : f32
    %sign3A_714 = vector.broadcast %sign3A_713 : f32 to vector<256x1xf32>
    %sign3A_715 = arith.cmpf ogt, %sign3A_712, %sign3A_714 : vector<256x1xf32>
    %sign3A_716 = arith.select %sign3A_715, %sign3A_711, %div3A_703 : vector<256x1xi1>, vector<256x1xf32>
    %abs3A_717 = math.absf %div3A_703 : vector<256x1xf32>
    %mul3A_718 = arith.mulf %div3A_703, %div3A_703 : vector<256x1xf32>
    %add3A_719 = arith.constant 1.000000e+00 : f32
    %add3A_720 = vector.broadcast %add3A_719 : f32 to vector<256x1xf32>
    %add3A_721 = arith.addf %mul3A_718, %add3A_720 : vector<256x1xf32>
    %sqrt3A_722 = math.sqrt %add3A_721 : vector<256x1xf32>
    %add3A_723 = arith.addf %abs3A_717, %sqrt3A_722 : vector<256x1xf32>
    %div3A_724 = arith.divf %sign3A_716, %add3A_723 : vector<256x1xf32>
    %eq3A_725 = arith.constant 0.000000e+00 : f32
    %eq3A_726 = vector.broadcast %eq3A_725 : f32 to vector<256x1xf32>
    %eq3A_727 = arith.cmpf oeq, %div3A_703, %eq3A_726 : vector<256x1xf32>
    %jit3A_728 = arith.constant 1.000000e+00 : f32
    %broadcast_in_dim3A_729 = vector.broadcast %jit3A_728 : f32 to vector<256x1xf32>
    %select_n3A_730 = arith.select %eq3A_727, %broadcast_in_dim3A_729, %div3A_724 : vector<256x1xi1>, vector<256x1xf32>
    %jit3A_731 = arith.constant 0.000000e+00 : f32
    %broadcast_in_dim3A_732 = vector.broadcast %jit3A_731 : f32 to vector<256x1xf32>
    %select_n3A_733 = arith.select %ne3A_695, %select_n3A_730, %broadcast_in_dim3A_732 : vector<256x1xi1>, vector<256x1xf32>
    %mul3A_734 = arith.mulf %select_n3A_733, %select_n3A_733 : vector<256x1xf32>
    %add3A_735 = arith.constant 1.000000e+00 : f32
    %add3A_736 = vector.broadcast %add3A_735 : f32 to vector<256x1xf32>
    %add3A_737 = arith.addf %mul3A_734, %add3A_736 : vector<256x1xf32>
    %rsqrt3A_738 = math.rsqrt %add3A_737 : vector<256x1xf32>
    %mul3A_739 = arith.mulf %select_n3A_733, %rsqrt3A_738 : vector<256x1xf32>
    %mul3A_740 = arith.mulf %select_n3A_733, %sub3A_671 : vector<256x1xf32>
    %sub3A_741 = arith.subf %sub3A_587, %mul3A_740 : vector<256x1xf32>
    %mul3A_742 = arith.mulf %select_n3A_733, %sub3A_671 : vector<256x1xf32>
    %add3A_743 = arith.addf %sub3A_664, %mul3A_742 : vector<256x1xf32>
    %broadcast_in_dim3A_744 = arith.constant 0.000000e+00 : f32
    %broadcast_in_dim3A_745 = vector.broadcast %broadcast_in_dim3A_744 : f32 to vector<256x1xf32>
    %mul3A_746 = arith.mulf %rsqrt3A_738, %add3A_674 : vector<256x1xf32>
    %mul3A_747 = arith.mulf %mul3A_739, %broadcast_in_dim3A_668 : vector<256x1xf32>
    %sub3A_748 = arith.subf %mul3A_746, %mul3A_747 : vector<256x1xf32>
    %mul3A_749 = arith.mulf %mul3A_739, %add3A_674 : vector<256x1xf32>
    %mul3A_750 = arith.mulf %rsqrt3A_738, %broadcast_in_dim3A_668 : vector<256x1xf32>
    %add3A_751 = arith.addf %mul3A_749, %mul3A_750 : vector<256x1xf32>
    %mul3A_752 = arith.mulf %rsqrt3A_738, %sub3A_600 : vector<256x1xf32>
    %mul3A_753 = arith.mulf %mul3A_739, %sub3A_677 : vector<256x1xf32>
    %sub3A_754 = arith.subf %mul3A_752, %mul3A_753 : vector<256x1xf32>
    %mul3A_755 = arith.mulf %mul3A_739, %sub3A_600 : vector<256x1xf32>
    %mul3A_756 = arith.mulf %rsqrt3A_738, %sub3A_677 : vector<256x1xf32>
    %add3A_757 = arith.addf %mul3A_755, %mul3A_756 : vector<256x1xf32>
    %mul3A_758 = arith.mulf %rsqrt3A_738, %sub3A_606 : vector<256x1xf32>
    %mul3A_759 = arith.mulf %mul3A_739, %sub3A_683 : vector<256x1xf32>
    %sub3A_760 = arith.subf %mul3A_758, %mul3A_759 : vector<256x1xf32>
    %mul3A_761 = arith.mulf %mul3A_739, %sub3A_606 : vector<256x1xf32>
    %mul3A_762 = arith.mulf %rsqrt3A_738, %sub3A_683 : vector<256x1xf32>
    %add3A_763 = arith.addf %mul3A_761, %mul3A_762 : vector<256x1xf32>
    %mul3A_764 = arith.mulf %rsqrt3A_738, %sub3A_612 : vector<256x1xf32>
    %mul3A_765 = arith.mulf %mul3A_739, %sub3A_689 : vector<256x1xf32>
    %sub3A_766 = arith.subf %mul3A_764, %mul3A_765 : vector<256x1xf32>
    %mul3A_767 = arith.mulf %mul3A_739, %sub3A_612 : vector<256x1xf32>
    %mul3A_768 = arith.mulf %rsqrt3A_738, %sub3A_689 : vector<256x1xf32>
    %add3A_769 = arith.addf %mul3A_767, %mul3A_768 : vector<256x1xf32>
    %ne3A_770 = arith.constant 0.000000e+00 : f32
    %ne3A_771 = vector.broadcast %ne3A_770 : f32 to vector<256x1xf32>
    %ne3A_772 = arith.cmpf one, %sub3A_748, %ne3A_771 : vector<256x1xf32>
    %jit3A_773 = arith.constant 1.000000e+00 : f32
    %broadcast_in_dim3A_774 = vector.broadcast %jit3A_773 : f32 to vector<256x1xf32>
    %select_n3A_775 = arith.select %ne3A_772, %sub3A_748, %broadcast_in_dim3A_774 : vector<256x1xi1>, vector<256x1xf32>
    %sub3A_776 = arith.subf %add3A_666, %sub3A_741 : vector<256x1xf32>
    %mul3A_777 = arith.constant 2.000000e+00 : f32
    %mul3A_778 = vector.broadcast %mul3A_777 : f32 to vector<256x1xf32>
    %mul3A_779 = arith.mulf %mul3A_778, %select_n3A_775 : vector<256x1xf32>
    %div3A_780 = arith.divf %sub3A_776, %mul3A_779 : vector<256x1xf32>
    %sign3A_781 = tpu.bitcast %div3A_780 : vector<256x1xf32> -> vector<256x1xi32>
    %sign3A_782 = arith.constant -2147483648 : i32
    %sign3A_783 = vector.broadcast %sign3A_782 : i32 to vector<256x1xi32>
    %sign3A_784 = arith.andi %sign3A_781, %sign3A_783 : vector<256x1xi32>
    %sign3A_785 = arith.constant 1065353216 : i32
    %sign3A_786 = vector.broadcast %sign3A_785 : i32 to vector<256x1xi32>
    %sign3A_787 = arith.ori %sign3A_786, %sign3A_784 : vector<256x1xi32>
    %sign3A_788 = tpu.bitcast %sign3A_787 : vector<256x1xi32> -> vector<256x1xf32>
    %sign3A_789 = math.absf %div3A_780 : vector<256x1xf32>
    %sign3A_790 = arith.constant 0.000000e+00 : f32
    %sign3A_791 = vector.broadcast %sign3A_790 : f32 to vector<256x1xf32>
    %sign3A_792 = arith.cmpf ogt, %sign3A_789, %sign3A_791 : vector<256x1xf32>
    %sign3A_793 = arith.select %sign3A_792, %sign3A_788, %div3A_780 : vector<256x1xi1>, vector<256x1xf32>
    %abs3A_794 = math.absf %div3A_780 : vector<256x1xf32>
    %mul3A_795 = arith.mulf %div3A_780, %div3A_780 : vector<256x1xf32>
    %add3A_796 = arith.constant 1.000000e+00 : f32
    %add3A_797 = vector.broadcast %add3A_796 : f32 to vector<256x1xf32>
    %add3A_798 = arith.addf %mul3A_795, %add3A_797 : vector<256x1xf32>
    %sqrt3A_799 = math.sqrt %add3A_798 : vector<256x1xf32>
    %add3A_800 = arith.addf %abs3A_794, %sqrt3A_799 : vector<256x1xf32>
    %div3A_801 = arith.divf %sign3A_793, %add3A_800 : vector<256x1xf32>
    %eq3A_802 = arith.constant 0.000000e+00 : f32
    %eq3A_803 = vector.broadcast %eq3A_802 : f32 to vector<256x1xf32>
    %eq3A_804 = arith.cmpf oeq, %div3A_780, %eq3A_803 : vector<256x1xf32>
    %jit3A_805 = arith.constant 1.000000e+00 : f32
    %broadcast_in_dim3A_806 = vector.broadcast %jit3A_805 : f32 to vector<256x1xf32>
    %select_n3A_807 = arith.select %eq3A_804, %broadcast_in_dim3A_806, %div3A_801 : vector<256x1xi1>, vector<256x1xf32>
    %jit3A_808 = arith.constant 0.000000e+00 : f32
    %broadcast_in_dim3A_809 = vector.broadcast %jit3A_808 : f32 to vector<256x1xf32>
    %select_n3A_810 = arith.select %ne3A_772, %select_n3A_807, %broadcast_in_dim3A_809 : vector<256x1xi1>, vector<256x1xf32>
    %mul3A_811 = arith.mulf %select_n3A_810, %select_n3A_810 : vector<256x1xf32>
    %add3A_812 = arith.constant 1.000000e+00 : f32
    %add3A_813 = vector.broadcast %add3A_812 : f32 to vector<256x1xf32>
    %add3A_814 = arith.addf %mul3A_811, %add3A_813 : vector<256x1xf32>
    %rsqrt3A_815 = math.rsqrt %add3A_814 : vector<256x1xf32>
    %mul3A_816 = arith.mulf %select_n3A_810, %rsqrt3A_815 : vector<256x1xf32>
    %mul3A_817 = arith.mulf %select_n3A_810, %sub3A_748 : vector<256x1xf32>
    %sub3A_818 = arith.subf %sub3A_741, %mul3A_817 : vector<256x1xf32>
    %mul3A_819 = arith.mulf %select_n3A_810, %sub3A_748 : vector<256x1xf32>
    %add3A_820 = arith.addf %add3A_666, %mul3A_819 : vector<256x1xf32>
    %broadcast_in_dim3A_821 = arith.constant 0.000000e+00 : f32
    %broadcast_in_dim3A_822 = vector.broadcast %broadcast_in_dim3A_821 : f32 to vector<256x1xf32>
    %mul3A_823 = arith.mulf %rsqrt3A_815, %broadcast_in_dim3A_745 : vector<256x1xf32>
    %mul3A_824 = arith.mulf %mul3A_816, %add3A_751 : vector<256x1xf32>
    %sub3A_825 = arith.subf %mul3A_823, %mul3A_824 : vector<256x1xf32>
    %mul3A_826 = arith.mulf %mul3A_816, %broadcast_in_dim3A_745 : vector<256x1xf32>
    %mul3A_827 = arith.mulf %rsqrt3A_815, %add3A_751 : vector<256x1xf32>
    %add3A_828 = arith.addf %mul3A_826, %mul3A_827 : vector<256x1xf32>
    %mul3A_829 = arith.mulf %rsqrt3A_815, %sub3A_754 : vector<256x1xf32>
    %mul3A_830 = arith.mulf %mul3A_816, %add3A_680 : vector<256x1xf32>
    %sub3A_831 = arith.subf %mul3A_829, %mul3A_830 : vector<256x1xf32>
    %mul3A_832 = arith.mulf %mul3A_816, %sub3A_754 : vector<256x1xf32>
    %mul3A_833 = arith.mulf %rsqrt3A_815, %add3A_680 : vector<256x1xf32>
    %add3A_834 = arith.addf %mul3A_832, %mul3A_833 : vector<256x1xf32>
    %mul3A_835 = arith.mulf %rsqrt3A_815, %sub3A_760 : vector<256x1xf32>
    %mul3A_836 = arith.mulf %mul3A_816, %add3A_686 : vector<256x1xf32>
    %sub3A_837 = arith.subf %mul3A_835, %mul3A_836 : vector<256x1xf32>
    %mul3A_838 = arith.mulf %mul3A_816, %sub3A_760 : vector<256x1xf32>
    %mul3A_839 = arith.mulf %rsqrt3A_815, %add3A_686 : vector<256x1xf32>
    %add3A_840 = arith.addf %mul3A_838, %mul3A_839 : vector<256x1xf32>
    %mul3A_841 = arith.mulf %rsqrt3A_815, %sub3A_766 : vector<256x1xf32>
    %mul3A_842 = arith.mulf %mul3A_816, %add3A_692 : vector<256x1xf32>
    %sub3A_843 = arith.subf %mul3A_841, %mul3A_842 : vector<256x1xf32>
    %mul3A_844 = arith.mulf %mul3A_816, %sub3A_766 : vector<256x1xf32>
    %mul3A_845 = arith.mulf %rsqrt3A_815, %add3A_692 : vector<256x1xf32>
    %add3A_846 = arith.addf %mul3A_844, %mul3A_845 : vector<256x1xf32>
    %ne3A_847 = arith.constant 0.000000e+00 : f32
    %ne3A_848 = vector.broadcast %ne3A_847 : f32 to vector<256x1xf32>
    %ne3A_849 = arith.cmpf one, %add3A_828, %ne3A_848 : vector<256x1xf32>
    %jit3A_850 = arith.constant 1.000000e+00 : f32
    %broadcast_in_dim3A_851 = vector.broadcast %jit3A_850 : f32 to vector<256x1xf32>
    %select_n3A_852 = arith.select %ne3A_849, %add3A_828, %broadcast_in_dim3A_851 : vector<256x1xi1>, vector<256x1xf32>
    %sub3A_853 = arith.subf %add3A_820, %add3A_743 : vector<256x1xf32>
    %mul3A_854 = arith.constant 2.000000e+00 : f32
    %mul3A_855 = vector.broadcast %mul3A_854 : f32 to vector<256x1xf32>
    %mul3A_856 = arith.mulf %mul3A_855, %select_n3A_852 : vector<256x1xf32>
    %div3A_857 = arith.divf %sub3A_853, %mul3A_856 : vector<256x1xf32>
    %sign3A_858 = tpu.bitcast %div3A_857 : vector<256x1xf32> -> vector<256x1xi32>
    %sign3A_859 = arith.constant -2147483648 : i32
    %sign3A_860 = vector.broadcast %sign3A_859 : i32 to vector<256x1xi32>
    %sign3A_861 = arith.andi %sign3A_858, %sign3A_860 : vector<256x1xi32>
    %sign3A_862 = arith.constant 1065353216 : i32
    %sign3A_863 = vector.broadcast %sign3A_862 : i32 to vector<256x1xi32>
    %sign3A_864 = arith.ori %sign3A_863, %sign3A_861 : vector<256x1xi32>
    %sign3A_865 = tpu.bitcast %sign3A_864 : vector<256x1xi32> -> vector<256x1xf32>
    %sign3A_866 = math.absf %div3A_857 : vector<256x1xf32>
    %sign3A_867 = arith.constant 0.000000e+00 : f32
    %sign3A_868 = vector.broadcast %sign3A_867 : f32 to vector<256x1xf32>
    %sign3A_869 = arith.cmpf ogt, %sign3A_866, %sign3A_868 : vector<256x1xf32>
    %sign3A_870 = arith.select %sign3A_869, %sign3A_865, %div3A_857 : vector<256x1xi1>, vector<256x1xf32>
    %abs3A_871 = math.absf %div3A_857 : vector<256x1xf32>
    %mul3A_872 = arith.mulf %div3A_857, %div3A_857 : vector<256x1xf32>
    %add3A_873 = arith.constant 1.000000e+00 : f32
    %add3A_874 = vector.broadcast %add3A_873 : f32 to vector<256x1xf32>
    %add3A_875 = arith.addf %mul3A_872, %add3A_874 : vector<256x1xf32>
    %sqrt3A_876 = math.sqrt %add3A_875 : vector<256x1xf32>
    %add3A_877 = arith.addf %abs3A_871, %sqrt3A_876 : vector<256x1xf32>
    %div3A_878 = arith.divf %sign3A_870, %add3A_877 : vector<256x1xf32>
    %eq3A_879 = arith.constant 0.000000e+00 : f32
    %eq3A_880 = vector.broadcast %eq3A_879 : f32 to vector<256x1xf32>
    %eq3A_881 = arith.cmpf oeq, %div3A_857, %eq3A_880 : vector<256x1xf32>
    %jit3A_882 = arith.constant 1.000000e+00 : f32
    %broadcast_in_dim3A_883 = vector.broadcast %jit3A_882 : f32 to vector<256x1xf32>
    %select_n3A_884 = arith.select %eq3A_881, %broadcast_in_dim3A_883, %div3A_878 : vector<256x1xi1>, vector<256x1xf32>
    %jit3A_885 = arith.constant 0.000000e+00 : f32
    %broadcast_in_dim3A_886 = vector.broadcast %jit3A_885 : f32 to vector<256x1xf32>
    %select_n3A_887 = arith.select %ne3A_849, %select_n3A_884, %broadcast_in_dim3A_886 : vector<256x1xi1>, vector<256x1xf32>
    %mul3A_888 = arith.mulf %select_n3A_887, %select_n3A_887 : vector<256x1xf32>
    %add3A_889 = arith.constant 1.000000e+00 : f32
    %add3A_890 = vector.broadcast %add3A_889 : f32 to vector<256x1xf32>
    %add3A_891 = arith.addf %mul3A_888, %add3A_890 : vector<256x1xf32>
    %rsqrt3A_892 = math.rsqrt %add3A_891 : vector<256x1xf32>
    %mul3A_893 = arith.mulf %select_n3A_887, %rsqrt3A_892 : vector<256x1xf32>
    %mul3A_894 = arith.mulf %select_n3A_887, %add3A_828 : vector<256x1xf32>
    %sub3A_895 = arith.subf %add3A_743, %mul3A_894 : vector<256x1xf32>
    %mul3A_896 = arith.mulf %select_n3A_887, %add3A_828 : vector<256x1xf32>
    %add3A_897 = arith.addf %add3A_820, %mul3A_896 : vector<256x1xf32>
    %broadcast_in_dim3A_898 = arith.constant 0.000000e+00 : f32
    %broadcast_in_dim3A_899 = vector.broadcast %broadcast_in_dim3A_898 : f32 to vector<256x1xf32>
    %mul3A_900 = arith.mulf %rsqrt3A_892, %sub3A_825 : vector<256x1xf32>
    %mul3A_901 = arith.mulf %mul3A_893, %broadcast_in_dim3A_822 : vector<256x1xf32>
    %sub3A_902 = arith.subf %mul3A_900, %mul3A_901 : vector<256x1xf32>
    %mul3A_903 = arith.mulf %mul3A_893, %sub3A_825 : vector<256x1xf32>
    %mul3A_904 = arith.mulf %rsqrt3A_892, %broadcast_in_dim3A_822 : vector<256x1xf32>
    %add3A_905 = arith.addf %mul3A_903, %mul3A_904 : vector<256x1xf32>
    %mul3A_906 = arith.mulf %rsqrt3A_892, %add3A_757 : vector<256x1xf32>
    %mul3A_907 = arith.mulf %mul3A_893, %add3A_834 : vector<256x1xf32>
    %sub3A_908 = arith.subf %mul3A_906, %mul3A_907 : vector<256x1xf32>
    %mul3A_909 = arith.mulf %mul3A_893, %add3A_757 : vector<256x1xf32>
    %mul3A_910 = arith.mulf %rsqrt3A_892, %add3A_834 : vector<256x1xf32>
    %add3A_911 = arith.addf %mul3A_909, %mul3A_910 : vector<256x1xf32>
    %mul3A_912 = arith.mulf %rsqrt3A_892, %add3A_763 : vector<256x1xf32>
    %mul3A_913 = arith.mulf %mul3A_893, %add3A_840 : vector<256x1xf32>
    %sub3A_914 = arith.subf %mul3A_912, %mul3A_913 : vector<256x1xf32>
    %mul3A_915 = arith.mulf %mul3A_893, %add3A_763 : vector<256x1xf32>
    %mul3A_916 = arith.mulf %rsqrt3A_892, %add3A_840 : vector<256x1xf32>
    %add3A_917 = arith.addf %mul3A_915, %mul3A_916 : vector<256x1xf32>
    %mul3A_918 = arith.mulf %rsqrt3A_892, %add3A_769 : vector<256x1xf32>
    %mul3A_919 = arith.mulf %mul3A_893, %add3A_846 : vector<256x1xf32>
    %sub3A_920 = arith.subf %mul3A_918, %mul3A_919 : vector<256x1xf32>
    %mul3A_921 = arith.mulf %mul3A_893, %add3A_769 : vector<256x1xf32>
    %mul3A_922 = arith.mulf %rsqrt3A_892, %add3A_846 : vector<256x1xf32>
    %add3A_923 = arith.addf %mul3A_921, %mul3A_922 : vector<256x1xf32>
    %ne3A_924 = arith.constant 0.000000e+00 : f32
    %ne3A_925 = vector.broadcast %ne3A_924 : f32 to vector<256x1xf32>
    %ne3A_926 = arith.cmpf one, %sub3A_902, %ne3A_925 : vector<256x1xf32>
    %jit3A_927 = arith.constant 1.000000e+00 : f32
    %broadcast_in_dim3A_928 = vector.broadcast %jit3A_927 : f32 to vector<256x1xf32>
    %select_n3A_929 = arith.select %ne3A_926, %sub3A_902, %broadcast_in_dim3A_928 : vector<256x1xi1>, vector<256x1xf32>
    %sub3A_930 = arith.subf %sub3A_895, %sub3A_818 : vector<256x1xf32>
    %mul3A_931 = arith.constant 2.000000e+00 : f32
    %mul3A_932 = vector.broadcast %mul3A_931 : f32 to vector<256x1xf32>
    %mul3A_933 = arith.mulf %mul3A_932, %select_n3A_929 : vector<256x1xf32>
    %div3A_934 = arith.divf %sub3A_930, %mul3A_933 : vector<256x1xf32>
    %sign3A_935 = tpu.bitcast %div3A_934 : vector<256x1xf32> -> vector<256x1xi32>
    %sign3A_936 = arith.constant -2147483648 : i32
    %sign3A_937 = vector.broadcast %sign3A_936 : i32 to vector<256x1xi32>
    %sign3A_938 = arith.andi %sign3A_935, %sign3A_937 : vector<256x1xi32>
    %sign3A_939 = arith.constant 1065353216 : i32
    %sign3A_940 = vector.broadcast %sign3A_939 : i32 to vector<256x1xi32>
    %sign3A_941 = arith.ori %sign3A_940, %sign3A_938 : vector<256x1xi32>
    %sign3A_942 = tpu.bitcast %sign3A_941 : vector<256x1xi32> -> vector<256x1xf32>
    %sign3A_943 = math.absf %div3A_934 : vector<256x1xf32>
    %sign3A_944 = arith.constant 0.000000e+00 : f32
    %sign3A_945 = vector.broadcast %sign3A_944 : f32 to vector<256x1xf32>
    %sign3A_946 = arith.cmpf ogt, %sign3A_943, %sign3A_945 : vector<256x1xf32>
    %sign3A_947 = arith.select %sign3A_946, %sign3A_942, %div3A_934 : vector<256x1xi1>, vector<256x1xf32>
    %abs3A_948 = math.absf %div3A_934 : vector<256x1xf32>
    %mul3A_949 = arith.mulf %div3A_934, %div3A_934 : vector<256x1xf32>
    %add3A_950 = arith.constant 1.000000e+00 : f32
    %add3A_951 = vector.broadcast %add3A_950 : f32 to vector<256x1xf32>
    %add3A_952 = arith.addf %mul3A_949, %add3A_951 : vector<256x1xf32>
    %sqrt3A_953 = math.sqrt %add3A_952 : vector<256x1xf32>
    %add3A_954 = arith.addf %abs3A_948, %sqrt3A_953 : vector<256x1xf32>
    %div3A_955 = arith.divf %sign3A_947, %add3A_954 : vector<256x1xf32>
    %eq3A_956 = arith.constant 0.000000e+00 : f32
    %eq3A_957 = vector.broadcast %eq3A_956 : f32 to vector<256x1xf32>
    %eq3A_958 = arith.cmpf oeq, %div3A_934, %eq3A_957 : vector<256x1xf32>
    %jit3A_959 = arith.constant 1.000000e+00 : f32
    %broadcast_in_dim3A_960 = vector.broadcast %jit3A_959 : f32 to vector<256x1xf32>
    %select_n3A_961 = arith.select %eq3A_958, %broadcast_in_dim3A_960, %div3A_955 : vector<256x1xi1>, vector<256x1xf32>
    %jit3A_962 = arith.constant 0.000000e+00 : f32
    %broadcast_in_dim3A_963 = vector.broadcast %jit3A_962 : f32 to vector<256x1xf32>
    %select_n3A_964 = arith.select %ne3A_926, %select_n3A_961, %broadcast_in_dim3A_963 : vector<256x1xi1>, vector<256x1xf32>
    %mul3A_965 = arith.mulf %select_n3A_964, %select_n3A_964 : vector<256x1xf32>
    %add3A_966 = arith.constant 1.000000e+00 : f32
    %add3A_967 = vector.broadcast %add3A_966 : f32 to vector<256x1xf32>
    %add3A_968 = arith.addf %mul3A_965, %add3A_967 : vector<256x1xf32>
    %rsqrt3A_969 = math.rsqrt %add3A_968 : vector<256x1xf32>
    %mul3A_970 = arith.mulf %select_n3A_964, %rsqrt3A_969 : vector<256x1xf32>
    %mul3A_971 = arith.mulf %select_n3A_964, %sub3A_902 : vector<256x1xf32>
    %sub3A_972 = arith.subf %sub3A_818, %mul3A_971 : vector<256x1xf32>
    %mul3A_973 = arith.mulf %select_n3A_964, %sub3A_902 : vector<256x1xf32>
    %add3A_974 = arith.addf %sub3A_895, %mul3A_973 : vector<256x1xf32>
    %broadcast_in_dim3A_975 = arith.constant 0.000000e+00 : f32
    %broadcast_in_dim3A_976 = vector.broadcast %broadcast_in_dim3A_975 : f32 to vector<256x1xf32>
    %mul3A_977 = arith.mulf %rsqrt3A_969, %add3A_905 : vector<256x1xf32>
    %mul3A_978 = arith.mulf %mul3A_970, %broadcast_in_dim3A_899 : vector<256x1xf32>
    %sub3A_979 = arith.subf %mul3A_977, %mul3A_978 : vector<256x1xf32>
    %mul3A_980 = arith.mulf %mul3A_970, %add3A_905 : vector<256x1xf32>
    %mul3A_981 = arith.mulf %rsqrt3A_969, %broadcast_in_dim3A_899 : vector<256x1xf32>
    %add3A_982 = arith.addf %mul3A_980, %mul3A_981 : vector<256x1xf32>
    %mul3A_983 = arith.mulf %rsqrt3A_969, %sub3A_831 : vector<256x1xf32>
    %mul3A_984 = arith.mulf %mul3A_970, %sub3A_908 : vector<256x1xf32>
    %sub3A_985 = arith.subf %mul3A_983, %mul3A_984 : vector<256x1xf32>
    %mul3A_986 = arith.mulf %mul3A_970, %sub3A_831 : vector<256x1xf32>
    %mul3A_987 = arith.mulf %rsqrt3A_969, %sub3A_908 : vector<256x1xf32>
    %add3A_988 = arith.addf %mul3A_986, %mul3A_987 : vector<256x1xf32>
    %mul3A_989 = arith.mulf %rsqrt3A_969, %sub3A_837 : vector<256x1xf32>
    %mul3A_990 = arith.mulf %mul3A_970, %sub3A_914 : vector<256x1xf32>
    %sub3A_991 = arith.subf %mul3A_989, %mul3A_990 : vector<256x1xf32>
    %mul3A_992 = arith.mulf %mul3A_970, %sub3A_837 : vector<256x1xf32>
    %mul3A_993 = arith.mulf %rsqrt3A_969, %sub3A_914 : vector<256x1xf32>
    %add3A_994 = arith.addf %mul3A_992, %mul3A_993 : vector<256x1xf32>
    %mul3A_995 = arith.mulf %rsqrt3A_969, %sub3A_843 : vector<256x1xf32>
    %mul3A_996 = arith.mulf %mul3A_970, %sub3A_920 : vector<256x1xf32>
    %sub3A_997 = arith.subf %mul3A_995, %mul3A_996 : vector<256x1xf32>
    %mul3A_998 = arith.mulf %mul3A_970, %sub3A_843 : vector<256x1xf32>
    %mul3A_999 = arith.mulf %rsqrt3A_969, %sub3A_920 : vector<256x1xf32>
    %add3A_1000 = arith.addf %mul3A_998, %mul3A_999 : vector<256x1xf32>
    %ne3A_1001 = arith.constant 0.000000e+00 : f32
    %ne3A_1002 = vector.broadcast %ne3A_1001 : f32 to vector<256x1xf32>
    %ne3A_1003 = arith.cmpf one, %sub3A_979, %ne3A_1002 : vector<256x1xf32>
    %jit3A_1004 = arith.constant 1.000000e+00 : f32
    %broadcast_in_dim3A_1005 = vector.broadcast %jit3A_1004 : f32 to vector<256x1xf32>
    %select_n3A_1006 = arith.select %ne3A_1003, %sub3A_979, %broadcast_in_dim3A_1005 : vector<256x1xi1>, vector<256x1xf32>
    %sub3A_1007 = arith.subf %add3A_897, %sub3A_972 : vector<256x1xf32>
    %mul3A_1008 = arith.constant 2.000000e+00 : f32
    %mul3A_1009 = vector.broadcast %mul3A_1008 : f32 to vector<256x1xf32>
    %mul3A_1010 = arith.mulf %mul3A_1009, %select_n3A_1006 : vector<256x1xf32>
    %div3A_1011 = arith.divf %sub3A_1007, %mul3A_1010 : vector<256x1xf32>
    %sign3A_1012 = tpu.bitcast %div3A_1011 : vector<256x1xf32> -> vector<256x1xi32>
    %sign3A_1013 = arith.constant -2147483648 : i32
    %sign3A_1014 = vector.broadcast %sign3A_1013 : i32 to vector<256x1xi32>
    %sign3A_1015 = arith.andi %sign3A_1012, %sign3A_1014 : vector<256x1xi32>
    %sign3A_1016 = arith.constant 1065353216 : i32
    %sign3A_1017 = vector.broadcast %sign3A_1016 : i32 to vector<256x1xi32>
    %sign3A_1018 = arith.ori %sign3A_1017, %sign3A_1015 : vector<256x1xi32>
    %sign3A_1019 = tpu.bitcast %sign3A_1018 : vector<256x1xi32> -> vector<256x1xf32>
    %sign3A_1020 = math.absf %div3A_1011 : vector<256x1xf32>
    %sign3A_1021 = arith.constant 0.000000e+00 : f32
    %sign3A_1022 = vector.broadcast %sign3A_1021 : f32 to vector<256x1xf32>
    %sign3A_1023 = arith.cmpf ogt, %sign3A_1020, %sign3A_1022 : vector<256x1xf32>
    %sign3A_1024 = arith.select %sign3A_1023, %sign3A_1019, %div3A_1011 : vector<256x1xi1>, vector<256x1xf32>
    %abs3A_1025 = math.absf %div3A_1011 : vector<256x1xf32>
    %mul3A_1026 = arith.mulf %div3A_1011, %div3A_1011 : vector<256x1xf32>
    %add3A_1027 = arith.constant 1.000000e+00 : f32
    %add3A_1028 = vector.broadcast %add3A_1027 : f32 to vector<256x1xf32>
    %add3A_1029 = arith.addf %mul3A_1026, %add3A_1028 : vector<256x1xf32>
    %sqrt3A_1030 = math.sqrt %add3A_1029 : vector<256x1xf32>
    %add3A_1031 = arith.addf %abs3A_1025, %sqrt3A_1030 : vector<256x1xf32>
    %div3A_1032 = arith.divf %sign3A_1024, %add3A_1031 : vector<256x1xf32>
    %eq3A_1033 = arith.constant 0.000000e+00 : f32
    %eq3A_1034 = vector.broadcast %eq3A_1033 : f32 to vector<256x1xf32>
    %eq3A_1035 = arith.cmpf oeq, %div3A_1011, %eq3A_1034 : vector<256x1xf32>
    %jit3A_1036 = arith.constant 1.000000e+00 : f32
    %broadcast_in_dim3A_1037 = vector.broadcast %jit3A_1036 : f32 to vector<256x1xf32>
    %select_n3A_1038 = arith.select %eq3A_1035, %broadcast_in_dim3A_1037, %div3A_1032 : vector<256x1xi1>, vector<256x1xf32>
    %jit3A_1039 = arith.constant 0.000000e+00 : f32
    %broadcast_in_dim3A_1040 = vector.broadcast %jit3A_1039 : f32 to vector<256x1xf32>
    %select_n3A_1041 = arith.select %ne3A_1003, %select_n3A_1038, %broadcast_in_dim3A_1040 : vector<256x1xi1>, vector<256x1xf32>
    %mul3A_1042 = arith.mulf %select_n3A_1041, %select_n3A_1041 : vector<256x1xf32>
    %add3A_1043 = arith.constant 1.000000e+00 : f32
    %add3A_1044 = vector.broadcast %add3A_1043 : f32 to vector<256x1xf32>
    %add3A_1045 = arith.addf %mul3A_1042, %add3A_1044 : vector<256x1xf32>
    %rsqrt3A_1046 = math.rsqrt %add3A_1045 : vector<256x1xf32>
    %mul3A_1047 = arith.mulf %select_n3A_1041, %rsqrt3A_1046 : vector<256x1xf32>
    %mul3A_1048 = arith.mulf %select_n3A_1041, %sub3A_979 : vector<256x1xf32>
    %sub3A_1049 = arith.subf %sub3A_972, %mul3A_1048 : vector<256x1xf32>
    %mul3A_1050 = arith.mulf %select_n3A_1041, %sub3A_979 : vector<256x1xf32>
    %add3A_1051 = arith.addf %add3A_897, %mul3A_1050 : vector<256x1xf32>
    %broadcast_in_dim3A_1052 = arith.constant 0.000000e+00 : f32
    %broadcast_in_dim3A_1053 = vector.broadcast %broadcast_in_dim3A_1052 : f32 to vector<256x1xf32>
    %mul3A_1054 = arith.mulf %rsqrt3A_1046, %broadcast_in_dim3A_976 : vector<256x1xf32>
    %mul3A_1055 = arith.mulf %mul3A_1047, %add3A_982 : vector<256x1xf32>
    %sub3A_1056 = arith.subf %mul3A_1054, %mul3A_1055 : vector<256x1xf32>
    %mul3A_1057 = arith.mulf %mul3A_1047, %broadcast_in_dim3A_976 : vector<256x1xf32>
    %mul3A_1058 = arith.mulf %rsqrt3A_1046, %add3A_982 : vector<256x1xf32>
    %add3A_1059 = arith.addf %mul3A_1057, %mul3A_1058 : vector<256x1xf32>
    %mul3A_1060 = arith.mulf %rsqrt3A_1046, %sub3A_985 : vector<256x1xf32>
    %mul3A_1061 = arith.mulf %mul3A_1047, %add3A_911 : vector<256x1xf32>
    %sub3A_1062 = arith.subf %mul3A_1060, %mul3A_1061 : vector<256x1xf32>
    %mul3A_1063 = arith.mulf %mul3A_1047, %sub3A_985 : vector<256x1xf32>
    %mul3A_1064 = arith.mulf %rsqrt3A_1046, %add3A_911 : vector<256x1xf32>
    %add3A_1065 = arith.addf %mul3A_1063, %mul3A_1064 : vector<256x1xf32>
    %mul3A_1066 = arith.mulf %rsqrt3A_1046, %sub3A_991 : vector<256x1xf32>
    %mul3A_1067 = arith.mulf %mul3A_1047, %add3A_917 : vector<256x1xf32>
    %sub3A_1068 = arith.subf %mul3A_1066, %mul3A_1067 : vector<256x1xf32>
    %mul3A_1069 = arith.mulf %mul3A_1047, %sub3A_991 : vector<256x1xf32>
    %mul3A_1070 = arith.mulf %rsqrt3A_1046, %add3A_917 : vector<256x1xf32>
    %add3A_1071 = arith.addf %mul3A_1069, %mul3A_1070 : vector<256x1xf32>
    %mul3A_1072 = arith.mulf %rsqrt3A_1046, %sub3A_997 : vector<256x1xf32>
    %mul3A_1073 = arith.mulf %mul3A_1047, %add3A_923 : vector<256x1xf32>
    %sub3A_1074 = arith.subf %mul3A_1072, %mul3A_1073 : vector<256x1xf32>
    %mul3A_1075 = arith.mulf %mul3A_1047, %sub3A_997 : vector<256x1xf32>
    %mul3A_1076 = arith.mulf %rsqrt3A_1046, %add3A_923 : vector<256x1xf32>
    %add3A_1077 = arith.addf %mul3A_1075, %mul3A_1076 : vector<256x1xf32>
    %ne3A_1078 = arith.constant 0.000000e+00 : f32
    %ne3A_1079 = vector.broadcast %ne3A_1078 : f32 to vector<256x1xf32>
    %ne3A_1080 = arith.cmpf one, %add3A_1059, %ne3A_1079 : vector<256x1xf32>
    %jit3A_1081 = arith.constant 1.000000e+00 : f32
    %broadcast_in_dim3A_1082 = vector.broadcast %jit3A_1081 : f32 to vector<256x1xf32>
    %select_n3A_1083 = arith.select %ne3A_1080, %add3A_1059, %broadcast_in_dim3A_1082 : vector<256x1xi1>, vector<256x1xf32>
    %sub3A_1084 = arith.subf %add3A_1051, %add3A_974 : vector<256x1xf32>
    %mul3A_1085 = arith.constant 2.000000e+00 : f32
    %mul3A_1086 = vector.broadcast %mul3A_1085 : f32 to vector<256x1xf32>
    %mul3A_1087 = arith.mulf %mul3A_1086, %select_n3A_1083 : vector<256x1xf32>
    %div3A_1088 = arith.divf %sub3A_1084, %mul3A_1087 : vector<256x1xf32>
    %sign3A_1089 = tpu.bitcast %div3A_1088 : vector<256x1xf32> -> vector<256x1xi32>
    %sign3A_1090 = arith.constant -2147483648 : i32
    %sign3A_1091 = vector.broadcast %sign3A_1090 : i32 to vector<256x1xi32>
    %sign3A_1092 = arith.andi %sign3A_1089, %sign3A_1091 : vector<256x1xi32>
    %sign3A_1093 = arith.constant 1065353216 : i32
    %sign3A_1094 = vector.broadcast %sign3A_1093 : i32 to vector<256x1xi32>
    %sign3A_1095 = arith.ori %sign3A_1094, %sign3A_1092 : vector<256x1xi32>
    %sign3A_1096 = tpu.bitcast %sign3A_1095 : vector<256x1xi32> -> vector<256x1xf32>
    %sign3A_1097 = math.absf %div3A_1088 : vector<256x1xf32>
    %sign3A_1098 = arith.constant 0.000000e+00 : f32
    %sign3A_1099 = vector.broadcast %sign3A_1098 : f32 to vector<256x1xf32>
    %sign3A_1100 = arith.cmpf ogt, %sign3A_1097, %sign3A_1099 : vector<256x1xf32>
    %sign3A_1101 = arith.select %sign3A_1100, %sign3A_1096, %div3A_1088 : vector<256x1xi1>, vector<256x1xf32>
    %abs3A_1102 = math.absf %div3A_1088 : vector<256x1xf32>
    %mul3A_1103 = arith.mulf %div3A_1088, %div3A_1088 : vector<256x1xf32>
    %add3A_1104 = arith.constant 1.000000e+00 : f32
    %add3A_1105 = vector.broadcast %add3A_1104 : f32 to vector<256x1xf32>
    %add3A_1106 = arith.addf %mul3A_1103, %add3A_1105 : vector<256x1xf32>
    %sqrt3A_1107 = math.sqrt %add3A_1106 : vector<256x1xf32>
    %add3A_1108 = arith.addf %abs3A_1102, %sqrt3A_1107 : vector<256x1xf32>
    %div3A_1109 = arith.divf %sign3A_1101, %add3A_1108 : vector<256x1xf32>
    %eq3A_1110 = arith.constant 0.000000e+00 : f32
    %eq3A_1111 = vector.broadcast %eq3A_1110 : f32 to vector<256x1xf32>
    %eq3A_1112 = arith.cmpf oeq, %div3A_1088, %eq3A_1111 : vector<256x1xf32>
    %jit3A_1113 = arith.constant 1.000000e+00 : f32
    %broadcast_in_dim3A_1114 = vector.broadcast %jit3A_1113 : f32 to vector<256x1xf32>
    %select_n3A_1115 = arith.select %eq3A_1112, %broadcast_in_dim3A_1114, %div3A_1109 : vector<256x1xi1>, vector<256x1xf32>
    %jit3A_1116 = arith.constant 0.000000e+00 : f32
    %broadcast_in_dim3A_1117 = vector.broadcast %jit3A_1116 : f32 to vector<256x1xf32>
    %select_n3A_1118 = arith.select %ne3A_1080, %select_n3A_1115, %broadcast_in_dim3A_1117 : vector<256x1xi1>, vector<256x1xf32>
    %mul3A_1119 = arith.mulf %select_n3A_1118, %select_n3A_1118 : vector<256x1xf32>
    %add3A_1120 = arith.constant 1.000000e+00 : f32
    %add3A_1121 = vector.broadcast %add3A_1120 : f32 to vector<256x1xf32>
    %add3A_1122 = arith.addf %mul3A_1119, %add3A_1121 : vector<256x1xf32>
    %rsqrt3A_1123 = math.rsqrt %add3A_1122 : vector<256x1xf32>
    %mul3A_1124 = arith.mulf %select_n3A_1118, %rsqrt3A_1123 : vector<256x1xf32>
    %mul3A_1125 = arith.mulf %select_n3A_1118, %add3A_1059 : vector<256x1xf32>
    %sub3A_1126 = arith.subf %add3A_974, %mul3A_1125 : vector<256x1xf32>
    %mul3A_1127 = arith.mulf %select_n3A_1118, %add3A_1059 : vector<256x1xf32>
    %add3A_1128 = arith.addf %add3A_1051, %mul3A_1127 : vector<256x1xf32>
    %broadcast_in_dim3A_1129 = arith.constant 0.000000e+00 : f32
    %broadcast_in_dim3A_1130 = vector.broadcast %broadcast_in_dim3A_1129 : f32 to vector<256x1xf32>
    %mul3A_1131 = arith.mulf %rsqrt3A_1123, %sub3A_1056 : vector<256x1xf32>
    %mul3A_1132 = arith.mulf %mul3A_1124, %broadcast_in_dim3A_1053 : vector<256x1xf32>
    %sub3A_1133 = arith.subf %mul3A_1131, %mul3A_1132 : vector<256x1xf32>
    %mul3A_1134 = arith.mulf %mul3A_1124, %sub3A_1056 : vector<256x1xf32>
    %mul3A_1135 = arith.mulf %rsqrt3A_1123, %broadcast_in_dim3A_1053 : vector<256x1xf32>
    %add3A_1136 = arith.addf %mul3A_1134, %mul3A_1135 : vector<256x1xf32>
    %mul3A_1137 = arith.mulf %rsqrt3A_1123, %add3A_988 : vector<256x1xf32>
    %mul3A_1138 = arith.mulf %mul3A_1124, %add3A_1065 : vector<256x1xf32>
    %sub3A_1139 = arith.subf %mul3A_1137, %mul3A_1138 : vector<256x1xf32>
    %mul3A_1140 = arith.mulf %mul3A_1124, %add3A_988 : vector<256x1xf32>
    %mul3A_1141 = arith.mulf %rsqrt3A_1123, %add3A_1065 : vector<256x1xf32>
    %add3A_1142 = arith.addf %mul3A_1140, %mul3A_1141 : vector<256x1xf32>
    %mul3A_1143 = arith.mulf %rsqrt3A_1123, %add3A_994 : vector<256x1xf32>
    %mul3A_1144 = arith.mulf %mul3A_1124, %add3A_1071 : vector<256x1xf32>
    %sub3A_1145 = arith.subf %mul3A_1143, %mul3A_1144 : vector<256x1xf32>
    %mul3A_1146 = arith.mulf %mul3A_1124, %add3A_994 : vector<256x1xf32>
    %mul3A_1147 = arith.mulf %rsqrt3A_1123, %add3A_1071 : vector<256x1xf32>
    %add3A_1148 = arith.addf %mul3A_1146, %mul3A_1147 : vector<256x1xf32>
    %mul3A_1149 = arith.mulf %rsqrt3A_1123, %add3A_1000 : vector<256x1xf32>
    %mul3A_1150 = arith.mulf %mul3A_1124, %add3A_1077 : vector<256x1xf32>
    %sub3A_1151 = arith.subf %mul3A_1149, %mul3A_1150 : vector<256x1xf32>
    %mul3A_1152 = arith.mulf %mul3A_1124, %add3A_1000 : vector<256x1xf32>
    %mul3A_1153 = arith.mulf %rsqrt3A_1123, %add3A_1077 : vector<256x1xf32>
    %add3A_1154 = arith.addf %mul3A_1152, %mul3A_1153 : vector<256x1xf32>
    %ne3A_1155 = arith.constant 0.000000e+00 : f32
    %ne3A_1156 = vector.broadcast %ne3A_1155 : f32 to vector<256x1xf32>
    %ne3A_1157 = arith.cmpf one, %sub3A_1133, %ne3A_1156 : vector<256x1xf32>
    %jit3A_1158 = arith.constant 1.000000e+00 : f32
    %broadcast_in_dim3A_1159 = vector.broadcast %jit3A_1158 : f32 to vector<256x1xf32>
    %select_n3A_1160 = arith.select %ne3A_1157, %sub3A_1133, %broadcast_in_dim3A_1159 : vector<256x1xi1>, vector<256x1xf32>
    %sub3A_1161 = arith.subf %sub3A_1126, %sub3A_1049 : vector<256x1xf32>
    %mul3A_1162 = arith.constant 2.000000e+00 : f32
    %mul3A_1163 = vector.broadcast %mul3A_1162 : f32 to vector<256x1xf32>
    %mul3A_1164 = arith.mulf %mul3A_1163, %select_n3A_1160 : vector<256x1xf32>
    %div3A_1165 = arith.divf %sub3A_1161, %mul3A_1164 : vector<256x1xf32>
    %sign3A_1166 = tpu.bitcast %div3A_1165 : vector<256x1xf32> -> vector<256x1xi32>
    %sign3A_1167 = arith.constant -2147483648 : i32
    %sign3A_1168 = vector.broadcast %sign3A_1167 : i32 to vector<256x1xi32>
    %sign3A_1169 = arith.andi %sign3A_1166, %sign3A_1168 : vector<256x1xi32>
    %sign3A_1170 = arith.constant 1065353216 : i32
    %sign3A_1171 = vector.broadcast %sign3A_1170 : i32 to vector<256x1xi32>
    %sign3A_1172 = arith.ori %sign3A_1171, %sign3A_1169 : vector<256x1xi32>
    %sign3A_1173 = tpu.bitcast %sign3A_1172 : vector<256x1xi32> -> vector<256x1xf32>
    %sign3A_1174 = math.absf %div3A_1165 : vector<256x1xf32>
    %sign3A_1175 = arith.constant 0.000000e+00 : f32
    %sign3A_1176 = vector.broadcast %sign3A_1175 : f32 to vector<256x1xf32>
    %sign3A_1177 = arith.cmpf ogt, %sign3A_1174, %sign3A_1176 : vector<256x1xf32>
    %sign3A_1178 = arith.select %sign3A_1177, %sign3A_1173, %div3A_1165 : vector<256x1xi1>, vector<256x1xf32>
    %abs3A_1179 = math.absf %div3A_1165 : vector<256x1xf32>
    %mul3A_1180 = arith.mulf %div3A_1165, %div3A_1165 : vector<256x1xf32>
    %add3A_1181 = arith.constant 1.000000e+00 : f32
    %add3A_1182 = vector.broadcast %add3A_1181 : f32 to vector<256x1xf32>
    %add3A_1183 = arith.addf %mul3A_1180, %add3A_1182 : vector<256x1xf32>
    %sqrt3A_1184 = math.sqrt %add3A_1183 : vector<256x1xf32>
    %add3A_1185 = arith.addf %abs3A_1179, %sqrt3A_1184 : vector<256x1xf32>
    %div3A_1186 = arith.divf %sign3A_1178, %add3A_1185 : vector<256x1xf32>
    %eq3A_1187 = arith.constant 0.000000e+00 : f32
    %eq3A_1188 = vector.broadcast %eq3A_1187 : f32 to vector<256x1xf32>
    %eq3A_1189 = arith.cmpf oeq, %div3A_1165, %eq3A_1188 : vector<256x1xf32>
    %jit3A_1190 = arith.constant 1.000000e+00 : f32
    %broadcast_in_dim3A_1191 = vector.broadcast %jit3A_1190 : f32 to vector<256x1xf32>
    %select_n3A_1192 = arith.select %eq3A_1189, %broadcast_in_dim3A_1191, %div3A_1186 : vector<256x1xi1>, vector<256x1xf32>
    %jit3A_1193 = arith.constant 0.000000e+00 : f32
    %broadcast_in_dim3A_1194 = vector.broadcast %jit3A_1193 : f32 to vector<256x1xf32>
    %select_n3A_1195 = arith.select %ne3A_1157, %select_n3A_1192, %broadcast_in_dim3A_1194 : vector<256x1xi1>, vector<256x1xf32>
    %mul3A_1196 = arith.mulf %select_n3A_1195, %select_n3A_1195 : vector<256x1xf32>
    %add3A_1197 = arith.constant 1.000000e+00 : f32
    %add3A_1198 = vector.broadcast %add3A_1197 : f32 to vector<256x1xf32>
    %add3A_1199 = arith.addf %mul3A_1196, %add3A_1198 : vector<256x1xf32>
    %rsqrt3A_1200 = math.rsqrt %add3A_1199 : vector<256x1xf32>
    %mul3A_1201 = arith.mulf %select_n3A_1195, %rsqrt3A_1200 : vector<256x1xf32>
    %mul3A_1202 = arith.mulf %select_n3A_1195, %sub3A_1133 : vector<256x1xf32>
    %sub3A_1203 = arith.subf %sub3A_1049, %mul3A_1202 : vector<256x1xf32>
    %mul3A_1204 = arith.mulf %select_n3A_1195, %sub3A_1133 : vector<256x1xf32>
    %add3A_1205 = arith.addf %sub3A_1126, %mul3A_1204 : vector<256x1xf32>
    %broadcast_in_dim3A_1206 = arith.constant 0.000000e+00 : f32
    %broadcast_in_dim3A_1207 = vector.broadcast %broadcast_in_dim3A_1206 : f32 to vector<256x1xf32>
    %mul3A_1208 = arith.mulf %rsqrt3A_1200, %add3A_1136 : vector<256x1xf32>
    %mul3A_1209 = arith.mulf %mul3A_1201, %broadcast_in_dim3A_1130 : vector<256x1xf32>
    %sub3A_1210 = arith.subf %mul3A_1208, %mul3A_1209 : vector<256x1xf32>
    %mul3A_1211 = arith.mulf %mul3A_1201, %add3A_1136 : vector<256x1xf32>
    %mul3A_1212 = arith.mulf %rsqrt3A_1200, %broadcast_in_dim3A_1130 : vector<256x1xf32>
    %add3A_1213 = arith.addf %mul3A_1211, %mul3A_1212 : vector<256x1xf32>
    %mul3A_1214 = arith.mulf %rsqrt3A_1200, %sub3A_1062 : vector<256x1xf32>
    %mul3A_1215 = arith.mulf %mul3A_1201, %sub3A_1139 : vector<256x1xf32>
    %sub3A_1216 = arith.subf %mul3A_1214, %mul3A_1215 : vector<256x1xf32>
    %mul3A_1217 = arith.mulf %mul3A_1201, %sub3A_1062 : vector<256x1xf32>
    %mul3A_1218 = arith.mulf %rsqrt3A_1200, %sub3A_1139 : vector<256x1xf32>
    %add3A_1219 = arith.addf %mul3A_1217, %mul3A_1218 : vector<256x1xf32>
    %mul3A_1220 = arith.mulf %rsqrt3A_1200, %sub3A_1068 : vector<256x1xf32>
    %mul3A_1221 = arith.mulf %mul3A_1201, %sub3A_1145 : vector<256x1xf32>
    %sub3A_1222 = arith.subf %mul3A_1220, %mul3A_1221 : vector<256x1xf32>
    %mul3A_1223 = arith.mulf %mul3A_1201, %sub3A_1068 : vector<256x1xf32>
    %mul3A_1224 = arith.mulf %rsqrt3A_1200, %sub3A_1145 : vector<256x1xf32>
    %add3A_1225 = arith.addf %mul3A_1223, %mul3A_1224 : vector<256x1xf32>
    %mul3A_1226 = arith.mulf %rsqrt3A_1200, %sub3A_1074 : vector<256x1xf32>
    %mul3A_1227 = arith.mulf %mul3A_1201, %sub3A_1151 : vector<256x1xf32>
    %sub3A_1228 = arith.subf %mul3A_1226, %mul3A_1227 : vector<256x1xf32>
    %mul3A_1229 = arith.mulf %mul3A_1201, %sub3A_1074 : vector<256x1xf32>
    %mul3A_1230 = arith.mulf %rsqrt3A_1200, %sub3A_1151 : vector<256x1xf32>
    %add3A_1231 = arith.addf %mul3A_1229, %mul3A_1230 : vector<256x1xf32>
    %ne3A_1232 = arith.constant 0.000000e+00 : f32
    %ne3A_1233 = vector.broadcast %ne3A_1232 : f32 to vector<256x1xf32>
    %ne3A_1234 = arith.cmpf one, %sub3A_1210, %ne3A_1233 : vector<256x1xf32>
    %jit3A_1235 = arith.constant 1.000000e+00 : f32
    %broadcast_in_dim3A_1236 = vector.broadcast %jit3A_1235 : f32 to vector<256x1xf32>
    %select_n3A_1237 = arith.select %ne3A_1234, %sub3A_1210, %broadcast_in_dim3A_1236 : vector<256x1xi1>, vector<256x1xf32>
    %sub3A_1238 = arith.subf %add3A_1128, %sub3A_1203 : vector<256x1xf32>
    %mul3A_1239 = arith.constant 2.000000e+00 : f32
    %mul3A_1240 = vector.broadcast %mul3A_1239 : f32 to vector<256x1xf32>
    %mul3A_1241 = arith.mulf %mul3A_1240, %select_n3A_1237 : vector<256x1xf32>
    %div3A_1242 = arith.divf %sub3A_1238, %mul3A_1241 : vector<256x1xf32>
    %sign3A_1243 = tpu.bitcast %div3A_1242 : vector<256x1xf32> -> vector<256x1xi32>
    %sign3A_1244 = arith.constant -2147483648 : i32
    %sign3A_1245 = vector.broadcast %sign3A_1244 : i32 to vector<256x1xi32>
    %sign3A_1246 = arith.andi %sign3A_1243, %sign3A_1245 : vector<256x1xi32>
    %sign3A_1247 = arith.constant 1065353216 : i32
    %sign3A_1248 = vector.broadcast %sign3A_1247 : i32 to vector<256x1xi32>
    %sign3A_1249 = arith.ori %sign3A_1248, %sign3A_1246 : vector<256x1xi32>
    %sign3A_1250 = tpu.bitcast %sign3A_1249 : vector<256x1xi32> -> vector<256x1xf32>
    %sign3A_1251 = math.absf %div3A_1242 : vector<256x1xf32>
    %sign3A_1252 = arith.constant 0.000000e+00 : f32
    %sign3A_1253 = vector.broadcast %sign3A_1252 : f32 to vector<256x1xf32>
    %sign3A_1254 = arith.cmpf ogt, %sign3A_1251, %sign3A_1253 : vector<256x1xf32>
    %sign3A_1255 = arith.select %sign3A_1254, %sign3A_1250, %div3A_1242 : vector<256x1xi1>, vector<256x1xf32>
    %abs3A_1256 = math.absf %div3A_1242 : vector<256x1xf32>
    %mul3A_1257 = arith.mulf %div3A_1242, %div3A_1242 : vector<256x1xf32>
    %add3A_1258 = arith.constant 1.000000e+00 : f32
    %add3A_1259 = vector.broadcast %add3A_1258 : f32 to vector<256x1xf32>
    %add3A_1260 = arith.addf %mul3A_1257, %add3A_1259 : vector<256x1xf32>
    %sqrt3A_1261 = math.sqrt %add3A_1260 : vector<256x1xf32>
    %add3A_1262 = arith.addf %abs3A_1256, %sqrt3A_1261 : vector<256x1xf32>
    %div3A_1263 = arith.divf %sign3A_1255, %add3A_1262 : vector<256x1xf32>
    %eq3A_1264 = arith.constant 0.000000e+00 : f32
    %eq3A_1265 = vector.broadcast %eq3A_1264 : f32 to vector<256x1xf32>
    %eq3A_1266 = arith.cmpf oeq, %div3A_1242, %eq3A_1265 : vector<256x1xf32>
    %jit3A_1267 = arith.constant 1.000000e+00 : f32
    %broadcast_in_dim3A_1268 = vector.broadcast %jit3A_1267 : f32 to vector<256x1xf32>
    %select_n3A_1269 = arith.select %eq3A_1266, %broadcast_in_dim3A_1268, %div3A_1263 : vector<256x1xi1>, vector<256x1xf32>
    %jit3A_1270 = arith.constant 0.000000e+00 : f32
    %broadcast_in_dim3A_1271 = vector.broadcast %jit3A_1270 : f32 to vector<256x1xf32>
    %select_n3A_1272 = arith.select %ne3A_1234, %select_n3A_1269, %broadcast_in_dim3A_1271 : vector<256x1xi1>, vector<256x1xf32>
    %mul3A_1273 = arith.mulf %select_n3A_1272, %select_n3A_1272 : vector<256x1xf32>
    %add3A_1274 = arith.constant 1.000000e+00 : f32
    %add3A_1275 = vector.broadcast %add3A_1274 : f32 to vector<256x1xf32>
    %add3A_1276 = arith.addf %mul3A_1273, %add3A_1275 : vector<256x1xf32>
    %rsqrt3A_1277 = math.rsqrt %add3A_1276 : vector<256x1xf32>
    %mul3A_1278 = arith.mulf %select_n3A_1272, %rsqrt3A_1277 : vector<256x1xf32>
    %mul3A_1279 = arith.mulf %select_n3A_1272, %sub3A_1210 : vector<256x1xf32>
    %sub3A_1280 = arith.subf %sub3A_1203, %mul3A_1279 : vector<256x1xf32>
    %mul3A_1281 = arith.mulf %select_n3A_1272, %sub3A_1210 : vector<256x1xf32>
    %add3A_1282 = arith.addf %add3A_1128, %mul3A_1281 : vector<256x1xf32>
    %mul3A_1283 = arith.mulf %mul3A_1278, %broadcast_in_dim3A_1207 : vector<256x1xf32>
    %mul3A_1284 = arith.mulf %rsqrt3A_1277, %add3A_1213 : vector<256x1xf32>
    %add3A_1285 = arith.addf %mul3A_1283, %mul3A_1284 : vector<256x1xf32>
    %mul3A_1286 = arith.mulf %rsqrt3A_1277, %sub3A_1216 : vector<256x1xf32>
    %mul3A_1287 = arith.mulf %mul3A_1278, %add3A_1142 : vector<256x1xf32>
    %sub3A_1288 = arith.subf %mul3A_1286, %mul3A_1287 : vector<256x1xf32>
    %mul3A_1289 = arith.mulf %mul3A_1278, %sub3A_1216 : vector<256x1xf32>
    %mul3A_1290 = arith.mulf %rsqrt3A_1277, %add3A_1142 : vector<256x1xf32>
    %add3A_1291 = arith.addf %mul3A_1289, %mul3A_1290 : vector<256x1xf32>
    %mul3A_1292 = arith.mulf %rsqrt3A_1277, %sub3A_1222 : vector<256x1xf32>
    %mul3A_1293 = arith.mulf %mul3A_1278, %add3A_1148 : vector<256x1xf32>
    %sub3A_1294 = arith.subf %mul3A_1292, %mul3A_1293 : vector<256x1xf32>
    %mul3A_1295 = arith.mulf %mul3A_1278, %sub3A_1222 : vector<256x1xf32>
    %mul3A_1296 = arith.mulf %rsqrt3A_1277, %add3A_1148 : vector<256x1xf32>
    %add3A_1297 = arith.addf %mul3A_1295, %mul3A_1296 : vector<256x1xf32>
    %mul3A_1298 = arith.mulf %rsqrt3A_1277, %sub3A_1228 : vector<256x1xf32>
    %mul3A_1299 = arith.mulf %mul3A_1278, %add3A_1154 : vector<256x1xf32>
    %sub3A_1300 = arith.subf %mul3A_1298, %mul3A_1299 : vector<256x1xf32>
    %mul3A_1301 = arith.mulf %mul3A_1278, %sub3A_1228 : vector<256x1xf32>
    %mul3A_1302 = arith.mulf %rsqrt3A_1277, %add3A_1154 : vector<256x1xf32>
    %add3A_1303 = arith.addf %mul3A_1301, %mul3A_1302 : vector<256x1xf32>
    %ne3A_1304 = arith.constant 0.000000e+00 : f32
    %ne3A_1305 = vector.broadcast %ne3A_1304 : f32 to vector<256x1xf32>
    %ne3A_1306 = arith.cmpf one, %add3A_1285, %ne3A_1305 : vector<256x1xf32>
    %jit3A_1307 = arith.constant 1.000000e+00 : f32
    %broadcast_in_dim3A_1308 = vector.broadcast %jit3A_1307 : f32 to vector<256x1xf32>
    %select_n3A_1309 = arith.select %ne3A_1306, %add3A_1285, %broadcast_in_dim3A_1308 : vector<256x1xi1>, vector<256x1xf32>
    %sub3A_1310 = arith.subf %add3A_1282, %add3A_1205 : vector<256x1xf32>
    %mul3A_1311 = arith.constant 2.000000e+00 : f32
    %mul3A_1312 = vector.broadcast %mul3A_1311 : f32 to vector<256x1xf32>
    %mul3A_1313 = arith.mulf %mul3A_1312, %select_n3A_1309 : vector<256x1xf32>
    %div3A_1314 = arith.divf %sub3A_1310, %mul3A_1313 : vector<256x1xf32>
    %sign3A_1315 = tpu.bitcast %div3A_1314 : vector<256x1xf32> -> vector<256x1xi32>
    %sign3A_1316 = arith.constant -2147483648 : i32
    %sign3A_1317 = vector.broadcast %sign3A_1316 : i32 to vector<256x1xi32>
    %sign3A_1318 = arith.andi %sign3A_1315, %sign3A_1317 : vector<256x1xi32>
    %sign3A_1319 = arith.constant 1065353216 : i32
    %sign3A_1320 = vector.broadcast %sign3A_1319 : i32 to vector<256x1xi32>
    %sign3A_1321 = arith.ori %sign3A_1320, %sign3A_1318 : vector<256x1xi32>
    %sign3A_1322 = tpu.bitcast %sign3A_1321 : vector<256x1xi32> -> vector<256x1xf32>
    %sign3A_1323 = math.absf %div3A_1314 : vector<256x1xf32>
    %sign3A_1324 = arith.constant 0.000000e+00 : f32
    %sign3A_1325 = vector.broadcast %sign3A_1324 : f32 to vector<256x1xf32>
    %sign3A_1326 = arith.cmpf ogt, %sign3A_1323, %sign3A_1325 : vector<256x1xf32>
    %sign3A_1327 = arith.select %sign3A_1326, %sign3A_1322, %div3A_1314 : vector<256x1xi1>, vector<256x1xf32>
    %abs3A_1328 = math.absf %div3A_1314 : vector<256x1xf32>
    %mul3A_1329 = arith.mulf %div3A_1314, %div3A_1314 : vector<256x1xf32>
    %add3A_1330 = arith.constant 1.000000e+00 : f32
    %add3A_1331 = vector.broadcast %add3A_1330 : f32 to vector<256x1xf32>
    %add3A_1332 = arith.addf %mul3A_1329, %add3A_1331 : vector<256x1xf32>
    %sqrt3A_1333 = math.sqrt %add3A_1332 : vector<256x1xf32>
    %add3A_1334 = arith.addf %abs3A_1328, %sqrt3A_1333 : vector<256x1xf32>
    %div3A_1335 = arith.divf %sign3A_1327, %add3A_1334 : vector<256x1xf32>
    %eq3A_1336 = arith.constant 0.000000e+00 : f32
    %eq3A_1337 = vector.broadcast %eq3A_1336 : f32 to vector<256x1xf32>
    %eq3A_1338 = arith.cmpf oeq, %div3A_1314, %eq3A_1337 : vector<256x1xf32>
    %jit3A_1339 = arith.constant 1.000000e+00 : f32
    %broadcast_in_dim3A_1340 = vector.broadcast %jit3A_1339 : f32 to vector<256x1xf32>
    %select_n3A_1341 = arith.select %eq3A_1338, %broadcast_in_dim3A_1340, %div3A_1335 : vector<256x1xi1>, vector<256x1xf32>
    %jit3A_1342 = arith.constant 0.000000e+00 : f32
    %broadcast_in_dim3A_1343 = vector.broadcast %jit3A_1342 : f32 to vector<256x1xf32>
    %select_n3A_1344 = arith.select %ne3A_1306, %select_n3A_1341, %broadcast_in_dim3A_1343 : vector<256x1xi1>, vector<256x1xf32>
    %mul3A_1345 = arith.mulf %select_n3A_1344, %select_n3A_1344 : vector<256x1xf32>
    %add3A_1346 = arith.constant 1.000000e+00 : f32
    %add3A_1347 = vector.broadcast %add3A_1346 : f32 to vector<256x1xf32>
    %add3A_1348 = arith.addf %mul3A_1345, %add3A_1347 : vector<256x1xf32>
    %rsqrt3A_1349 = math.rsqrt %add3A_1348 : vector<256x1xf32>
    %mul3A_1350 = arith.mulf %select_n3A_1344, %rsqrt3A_1349 : vector<256x1xf32>
    %mul3A_1351 = arith.mulf %select_n3A_1344, %add3A_1285 : vector<256x1xf32>
    %sub3A_1352 = arith.subf %add3A_1205, %mul3A_1351 : vector<256x1xf32>
    %mul3A_1353 = arith.mulf %select_n3A_1344, %add3A_1285 : vector<256x1xf32>
    %add3A_1354 = arith.addf %add3A_1282, %mul3A_1353 : vector<256x1xf32>
    %mul3A_1355 = arith.mulf %rsqrt3A_1349, %add3A_1219 : vector<256x1xf32>
    %mul3A_1356 = arith.mulf %mul3A_1350, %add3A_1291 : vector<256x1xf32>
    %sub3A_1357 = arith.subf %mul3A_1355, %mul3A_1356 : vector<256x1xf32>
    %mul3A_1358 = arith.mulf %mul3A_1350, %add3A_1219 : vector<256x1xf32>
    %mul3A_1359 = arith.mulf %rsqrt3A_1349, %add3A_1291 : vector<256x1xf32>
    %add3A_1360 = arith.addf %mul3A_1358, %mul3A_1359 : vector<256x1xf32>
    %mul3A_1361 = arith.mulf %rsqrt3A_1349, %add3A_1225 : vector<256x1xf32>
    %mul3A_1362 = arith.mulf %mul3A_1350, %add3A_1297 : vector<256x1xf32>
    %sub3A_1363 = arith.subf %mul3A_1361, %mul3A_1362 : vector<256x1xf32>
    %mul3A_1364 = arith.mulf %mul3A_1350, %add3A_1225 : vector<256x1xf32>
    %mul3A_1365 = arith.mulf %rsqrt3A_1349, %add3A_1297 : vector<256x1xf32>
    %add3A_1366 = arith.addf %mul3A_1364, %mul3A_1365 : vector<256x1xf32>
    %mul3A_1367 = arith.mulf %rsqrt3A_1349, %add3A_1231 : vector<256x1xf32>
    %mul3A_1368 = arith.mulf %mul3A_1350, %add3A_1303 : vector<256x1xf32>
    %sub3A_1369 = arith.subf %mul3A_1367, %mul3A_1368 : vector<256x1xf32>
    %mul3A_1370 = arith.mulf %mul3A_1350, %add3A_1231 : vector<256x1xf32>
    %mul3A_1371 = arith.mulf %rsqrt3A_1349, %add3A_1303 : vector<256x1xf32>
    %add3A_1372 = arith.addf %mul3A_1370, %mul3A_1371 : vector<256x1xf32>
    %ge3A = arith.cmpf oge, %sub3A_1280, %sub3A_1352 : vector<256x1xf32>
    %select_n3A_1373 = arith.select %ge3A, %sub3A_1280, %sub3A_1352 : vector<256x1xi1>, vector<256x1xf32>
    %select_n3A_1374 = arith.select %ge3A, %sub3A_1288, %sub3A_1357 : vector<256x1xi1>, vector<256x1xf32>
    %select_n3A_1375 = arith.select %ge3A, %sub3A_1294, %sub3A_1363 : vector<256x1xi1>, vector<256x1xf32>
    %select_n3A_1376 = arith.select %ge3A, %sub3A_1300, %sub3A_1369 : vector<256x1xi1>, vector<256x1xf32>
    %ge3A_1377 = arith.cmpf oge, %select_n3A_1373, %add3A_1354 : vector<256x1xf32>
    %select_n3A_1378 = arith.select %ge3A_1377, %select_n3A_1373, %add3A_1354 : vector<256x1xi1>, vector<256x1xf32>
    %select_n3A_1379 = arith.select %ge3A_1377, %select_n3A_1374, %add3A_1360 : vector<256x1xi1>, vector<256x1xf32>
    %select_n3A_1380 = arith.select %ge3A_1377, %select_n3A_1375, %add3A_1366 : vector<256x1xi1>, vector<256x1xf32>
    %select_n3A_1381 = arith.select %ge3A_1377, %select_n3A_1376, %add3A_1372 : vector<256x1xi1>, vector<256x1xf32>
    %lt3A = arith.cmpf olt, %sub3A_1280, %sub3A_1352 : vector<256x1xf32>
    %select_n3A_1382 = arith.select %lt3A, %sub3A_1280, %sub3A_1352 : vector<256x1xi1>, vector<256x1xf32>
    %select_n3A_1383 = arith.select %lt3A, %sub3A_1288, %sub3A_1357 : vector<256x1xi1>, vector<256x1xf32>
    %select_n3A_1384 = arith.select %lt3A, %sub3A_1294, %sub3A_1363 : vector<256x1xi1>, vector<256x1xf32>
    %select_n3A_1385 = arith.select %lt3A, %sub3A_1300, %sub3A_1369 : vector<256x1xi1>, vector<256x1xf32>
    %le3A = arith.cmpf ole, %select_n3A_1382, %add3A_1354 : vector<256x1xf32>
    %select_n3A_1386 = arith.select %le3A, %select_n3A_1382, %add3A_1354 : vector<256x1xi1>, vector<256x1xf32>
    %select_n3A_1387 = arith.select %le3A, %select_n3A_1383, %add3A_1360 : vector<256x1xi1>, vector<256x1xf32>
    %select_n3A_1388 = arith.select %le3A, %select_n3A_1384, %add3A_1366 : vector<256x1xi1>, vector<256x1xf32>
    %select_n3A_1389 = arith.select %le3A, %select_n3A_1385, %add3A_1372 : vector<256x1xi1>, vector<256x1xf32>
    %add3A_1390 = arith.addf %sub3A_1280, %sub3A_1352 : vector<256x1xf32>
    %add3A_1391 = arith.addf %add3A_1390, %add3A_1354 : vector<256x1xf32>
    %sub3A_1392 = arith.subf %add3A_1391, %select_n3A_1378 : vector<256x1xf32>
    %sub3A_1393 = arith.subf %sub3A_1392, %select_n3A_1386 : vector<256x1xf32>
    %mul3A_1394 = arith.mulf %select_n3A_1379, %select_n3A_1379 : vector<256x1xf32>
    %mul3A_1395 = arith.mulf %select_n3A_1380, %select_n3A_1380 : vector<256x1xf32>
    %add3A_1396 = arith.addf %mul3A_1394, %mul3A_1395 : vector<256x1xf32>
    %mul3A_1397 = arith.mulf %select_n3A_1381, %select_n3A_1381 : vector<256x1xf32>
    %add3A_1398 = arith.addf %add3A_1396, %mul3A_1397 : vector<256x1xf32>
    %rsqrt3A_1399 = math.rsqrt %add3A_1398 : vector<256x1xf32>
    %mul3A_1400 = arith.mulf %select_n3A_1387, %select_n3A_1387 : vector<256x1xf32>
    %mul3A_1401 = arith.mulf %select_n3A_1388, %select_n3A_1388 : vector<256x1xf32>
    %add3A_1402 = arith.addf %mul3A_1400, %mul3A_1401 : vector<256x1xf32>
    %mul3A_1403 = arith.mulf %select_n3A_1389, %select_n3A_1389 : vector<256x1xf32>
    %add3A_1404 = arith.addf %add3A_1402, %mul3A_1403 : vector<256x1xf32>
    %rsqrt3A_1405 = math.rsqrt %add3A_1404 : vector<256x1xf32>
    %mul3A_1406 = arith.mulf %select_n3A_1379, %rsqrt3A_1399 : vector<256x1xf32>
    %mul3A_1407 = arith.mulf %select_n3A_1380, %rsqrt3A_1399 : vector<256x1xf32>
    %mul3A_1408 = arith.mulf %select_n3A_1381, %rsqrt3A_1399 : vector<256x1xf32>
    %mul3A_1409 = arith.mulf %select_n3A_1387, %rsqrt3A_1405 : vector<256x1xf32>
    %mul3A_1410 = arith.mulf %select_n3A_1388, %rsqrt3A_1405 : vector<256x1xf32>
    %mul3A_1411 = arith.mulf %select_n3A_1389, %rsqrt3A_1405 : vector<256x1xf32>
    %get3A_1412 = arith.constant 0 : index
    %get3A_1413 = arith.constant 0 : index
    %get3A_1414 = arith.constant 0 : index
    %get3A_1415 = vector.load %arg3[%get3A_1412, %get3A_1413, %get3A_1414] : memref<1x256x32xf32, #tpu.memory_space<vmem>>, vector<1x256x32xf32>
    %get3A_1416 = vector.shape_cast %get3A_1415 : vector<1x256x32xf32> to vector<256x32xf32>
    %get3A_1417 = arith.constant 0 : index
    %get3A_1418 = arith.constant 0 : index
    %get3A_1419 = arith.constant 0 : index
    %get3A_1420 = vector.load %arg4[%get3A_1417, %get3A_1418, %get3A_1419] : memref<1x256x32xf32, #tpu.memory_space<vmem>>, vector<1x256x32xf32>
    %get3A_1421 = vector.shape_cast %get3A_1420 : vector<1x256x32xf32> to vector<256x32xf32>
    %get3A_1422 = arith.constant 0 : index
    %get3A_1423 = arith.constant 0 : index
    %get3A_1424 = arith.constant 0 : index
    %get3A_1425 = vector.load %arg5[%get3A_1422, %get3A_1423, %get3A_1424] : memref<1x256x32xf32, #tpu.memory_space<vmem>>, vector<1x256x32xf32>
    %get3A_1426 = vector.shape_cast %get3A_1425 : vector<1x256x32xf32> to vector<256x32xf32>
    %mul3A_1427 = vector.broadcast %mul3A_1406 : vector<256x1xf32> to vector<256x32xf32>
    %mul3A_1428 = arith.mulf %get3A_1416, %mul3A_1427 : vector<256x32xf32>
    %mul3A_1429 = vector.broadcast %mul3A_1407 : vector<256x1xf32> to vector<256x32xf32>
    %mul3A_1430 = arith.mulf %get3A_1421, %mul3A_1429 : vector<256x32xf32>
    %add3A_1431 = arith.addf %mul3A_1428, %mul3A_1430 : vector<256x32xf32>
    %mul3A_1432 = vector.broadcast %mul3A_1408 : vector<256x1xf32> to vector<256x32xf32>
    %mul3A_1433 = arith.mulf %get3A_1426, %mul3A_1432 : vector<256x32xf32>
    %add3A_1434 = arith.addf %add3A_1431, %mul3A_1433 : vector<256x32xf32>
    %mul3A_1435 = vector.broadcast %mul3A_1409 : vector<256x1xf32> to vector<256x32xf32>
    %mul3A_1436 = arith.mulf %get3A_1416, %mul3A_1435 : vector<256x32xf32>
    %mul3A_1437 = vector.broadcast %mul3A_1410 : vector<256x1xf32> to vector<256x32xf32>
    %mul3A_1438 = arith.mulf %get3A_1421, %mul3A_1437 : vector<256x32xf32>
    %add3A_1439 = arith.addf %mul3A_1436, %mul3A_1438 : vector<256x32xf32>
    %mul3A_1440 = vector.broadcast %mul3A_1411 : vector<256x1xf32> to vector<256x32xf32>
    %mul3A_1441 = arith.mulf %get3A_1426, %mul3A_1440 : vector<256x32xf32>
    %add3A_1442 = arith.addf %add3A_1439, %mul3A_1441 : vector<256x32xf32>
    %sign3A_1443 = tpu.bitcast %add3A_1434 : vector<256x32xf32> -> vector<256x32xi32>
    %sign3A_1444 = arith.constant -2147483648 : i32
    %sign3A_1445 = vector.broadcast %sign3A_1444 : i32 to vector<256x32xi32>
    %sign3A_1446 = arith.andi %sign3A_1443, %sign3A_1445 : vector<256x32xi32>
    %sign3A_1447 = arith.constant 1065353216 : i32
    %sign3A_1448 = vector.broadcast %sign3A_1447 : i32 to vector<256x32xi32>
    %sign3A_1449 = arith.ori %sign3A_1448, %sign3A_1446 : vector<256x32xi32>
    %sign3A_1450 = tpu.bitcast %sign3A_1449 : vector<256x32xi32> -> vector<256x32xf32>
    %sign3A_1451 = math.absf %add3A_1434 : vector<256x32xf32>
    %sign3A_1452 = arith.constant 0.000000e+00 : f32
    %sign3A_1453 = vector.broadcast %sign3A_1452 : f32 to vector<256x32xf32>
    %sign3A_1454 = arith.cmpf ogt, %sign3A_1451, %sign3A_1453 : vector<256x32xf32>
    %sign3A_1455 = arith.select %sign3A_1454, %sign3A_1450, %add3A_1434 : vector<256x32xi1>, vector<256x32xf32>
    %sign3A_1456 = tpu.bitcast %add3A_1442 : vector<256x32xf32> -> vector<256x32xi32>
    %sign3A_1457 = arith.constant -2147483648 : i32
    %sign3A_1458 = vector.broadcast %sign3A_1457 : i32 to vector<256x32xi32>
    %sign3A_1459 = arith.andi %sign3A_1456, %sign3A_1458 : vector<256x32xi32>
    %sign3A_1460 = arith.constant 1065353216 : i32
    %sign3A_1461 = vector.broadcast %sign3A_1460 : i32 to vector<256x32xi32>
    %sign3A_1462 = arith.ori %sign3A_1461, %sign3A_1459 : vector<256x32xi32>
    %sign3A_1463 = tpu.bitcast %sign3A_1462 : vector<256x32xi32> -> vector<256x32xf32>
    %sign3A_1464 = math.absf %add3A_1442 : vector<256x32xf32>
    %sign3A_1465 = arith.constant 0.000000e+00 : f32
    %sign3A_1466 = vector.broadcast %sign3A_1465 : f32 to vector<256x32xf32>
    %sign3A_1467 = arith.cmpf ogt, %sign3A_1464, %sign3A_1466 : vector<256x32xf32>
    %sign3A_1468 = arith.select %sign3A_1467, %sign3A_1463, %add3A_1442 : vector<256x32xi1>, vector<256x32xf32>
    %reduce_sum3A = arith.constant dense<0.000000e+00> : vector<256xf32>
    %reduce_sum3A_1469 = vector.multi_reduction <add>, %sign3A_1455, %reduce_sum3A [1] : vector<256x32xf32> to vector<256xf32>
    %broadcast_in_dim3A_1470 = vector.shape_cast %reduce_sum3A_1469 : vector<256xf32> to vector<256x1xf32>
    %reduce_sum3A_1471 = arith.constant dense<0.000000e+00> : vector<256xf32>
    %reduce_sum3A_1472 = vector.multi_reduction <add>, %sign3A_1468, %reduce_sum3A_1471 [1] : vector<256x32xf32> to vector<256xf32>
    %broadcast_in_dim3A_1473 = vector.shape_cast %reduce_sum3A_1472 : vector<256xf32> to vector<256x1xf32>
    %sign3A_1474 = tpu.bitcast %broadcast_in_dim3A_1470 : vector<256x1xf32> -> vector<256x1xi32>
    %sign3A_1475 = arith.constant -2147483648 : i32
    %sign3A_1476 = vector.broadcast %sign3A_1475 : i32 to vector<256x1xi32>
    %sign3A_1477 = arith.andi %sign3A_1474, %sign3A_1476 : vector<256x1xi32>
    %sign3A_1478 = arith.constant 1065353216 : i32
    %sign3A_1479 = vector.broadcast %sign3A_1478 : i32 to vector<256x1xi32>
    %sign3A_1480 = arith.ori %sign3A_1479, %sign3A_1477 : vector<256x1xi32>
    %sign3A_1481 = tpu.bitcast %sign3A_1480 : vector<256x1xi32> -> vector<256x1xf32>
    %sign3A_1482 = math.absf %broadcast_in_dim3A_1470 : vector<256x1xf32>
    %sign3A_1483 = arith.constant 0.000000e+00 : f32
    %sign3A_1484 = vector.broadcast %sign3A_1483 : f32 to vector<256x1xf32>
    %sign3A_1485 = arith.cmpf ogt, %sign3A_1482, %sign3A_1484 : vector<256x1xf32>
    %sign3A_1486 = arith.select %sign3A_1485, %sign3A_1481, %broadcast_in_dim3A_1470 : vector<256x1xi1>, vector<256x1xf32>
    %eq3A_1487 = arith.constant 0.000000e+00 : f32
    %eq3A_1488 = vector.broadcast %eq3A_1487 : f32 to vector<256x1xf32>
    %eq3A_1489 = arith.cmpf oeq, %sign3A_1486, %eq3A_1488 : vector<256x1xf32>
    %jit3A_1490 = arith.constant 1.000000e+00 : f32
    %broadcast_in_dim3A_1491 = vector.broadcast %jit3A_1490 : f32 to vector<256x1xf32>
    %select_n3A_1492 = arith.select %eq3A_1489, %broadcast_in_dim3A_1491, %sign3A_1486 : vector<256x1xi1>, vector<256x1xf32>
    %sign3A_1493 = tpu.bitcast %broadcast_in_dim3A_1473 : vector<256x1xf32> -> vector<256x1xi32>
    %sign3A_1494 = arith.constant -2147483648 : i32
    %sign3A_1495 = vector.broadcast %sign3A_1494 : i32 to vector<256x1xi32>
    %sign3A_1496 = arith.andi %sign3A_1493, %sign3A_1495 : vector<256x1xi32>
    %sign3A_1497 = arith.constant 1065353216 : i32
    %sign3A_1498 = vector.broadcast %sign3A_1497 : i32 to vector<256x1xi32>
    %sign3A_1499 = arith.ori %sign3A_1498, %sign3A_1496 : vector<256x1xi32>
    %sign3A_1500 = tpu.bitcast %sign3A_1499 : vector<256x1xi32> -> vector<256x1xf32>
    %sign3A_1501 = math.absf %broadcast_in_dim3A_1473 : vector<256x1xf32>
    %sign3A_1502 = arith.constant 0.000000e+00 : f32
    %sign3A_1503 = vector.broadcast %sign3A_1502 : f32 to vector<256x1xf32>
    %sign3A_1504 = arith.cmpf ogt, %sign3A_1501, %sign3A_1503 : vector<256x1xf32>
    %sign3A_1505 = arith.select %sign3A_1504, %sign3A_1500, %broadcast_in_dim3A_1473 : vector<256x1xi1>, vector<256x1xf32>
    %eq3A_1506 = arith.constant 0.000000e+00 : f32
    %eq3A_1507 = vector.broadcast %eq3A_1506 : f32 to vector<256x1xf32>
    %eq3A_1508 = arith.cmpf oeq, %sign3A_1505, %eq3A_1507 : vector<256x1xf32>
    %jit3A_1509 = arith.constant 1.000000e+00 : f32
    %broadcast_in_dim3A_1510 = vector.broadcast %jit3A_1509 : f32 to vector<256x1xf32>
    %select_n3A_1511 = arith.select %eq3A_1508, %broadcast_in_dim3A_1510, %sign3A_1505 : vector<256x1xi1>, vector<256x1xf32>
    %mul3A_1512 = arith.mulf %mul3A_1406, %select_n3A_1492 : vector<256x1xf32>
    %mul3A_1513 = arith.mulf %mul3A_1407, %select_n3A_1492 : vector<256x1xf32>
    %mul3A_1514 = arith.mulf %mul3A_1408, %select_n3A_1492 : vector<256x1xf32>
    %mul3A_1515 = arith.mulf %mul3A_1409, %select_n3A_1511 : vector<256x1xf32>
    %mul3A_1516 = arith.mulf %mul3A_1410, %select_n3A_1511 : vector<256x1xf32>
    %mul3A_1517 = arith.mulf %mul3A_1411, %select_n3A_1511 : vector<256x1xf32>
    %concatenate3A = tpu.concatenate %mul3A_1512, %mul3A_1513, %mul3A_1514 in 1 : vector<256x1xf32>, vector<256x1xf32>, vector<256x1xf32> -> vector<256x3xf32>
    %swap3A = arith.constant 0 : index
    %swap3A_1518 = arith.constant 0 : index
    %swap3A_1519 = arith.constant 0 : index
    %swap3A_1520 = vector.load %arg6[%swap3A, %swap3A_1518, %swap3A_1519] : memref<1x256x3xf32, #tpu.memory_space<vmem>>, vector<1x256x3xf32>
    %swap3A_1521 = vector.shape_cast %swap3A_1520 : vector<1x256x3xf32> to vector<256x3xf32>
    %swap3A_1522 = vector.shape_cast %concatenate3A : vector<256x3xf32> to vector<1x256x3xf32>
    tpu.vector_store %arg6[%swap3A, %swap3A_1518, %swap3A_1519], %swap3A_1522 {strides = array<i32>} : memref<1x256x3xf32, #tpu.memory_space<vmem>>, vector<1x256x3xf32>,
    %concatenate3A_1523 = tpu.concatenate %mul3A_1515, %mul3A_1516, %mul3A_1517 in 1 : vector<256x1xf32>, vector<256x1xf32>, vector<256x1xf32> -> vector<256x3xf32>
    %swap3A_1524 = arith.constant 0 : index
    %swap3A_1525 = arith.constant 0 : index
    %swap3A_1526 = arith.constant 0 : index
    %swap3A_1527 = vector.load %arg7[%swap3A_1524, %swap3A_1525, %swap3A_1526] : memref<1x256x3xf32, #tpu.memory_space<vmem>>, vector<1x256x3xf32>
    %swap3A_1528 = vector.shape_cast %swap3A_1527 : vector<1x256x3xf32> to vector<256x3xf32>
    %swap3A_1529 = vector.shape_cast %concatenate3A_1523 : vector<256x3xf32> to vector<1x256x3xf32>
    tpu.vector_store %arg7[%swap3A_1524, %swap3A_1525, %swap3A_1526], %swap3A_1529 {strides = array<i32>} : memref<1x256x3xf32, #tpu.memory_space<vmem>>, vector<1x256x3xf32>,
    %max3A = arith.constant 9.99999996E-13 : f32
    %max3A_1530 = vector.broadcast %max3A : f32 to vector<256x1xf32>
    %max3A_1531 = arith.maximumf %select_n3A_1378, %max3A_1530 : vector<256x1xf32>
    %sub3A_1532 = arith.subf %select_n3A_1378, %sub3A_1393 : vector<256x1xf32>
    %div3A_1533 = arith.divf %sub3A_1532, %max3A_1531 : vector<256x1xf32>
    %sub3A_1534 = arith.subf %sub3A_1393, %select_n3A_1386 : vector<256x1xf32>
    %div3A_1535 = arith.divf %sub3A_1534, %max3A_1531 : vector<256x1xf32>
    %max3A_1536 = arith.constant 9.99999997E-7 : f32
    %max3A_1537 = vector.broadcast %max3A_1536 : f32 to vector<256x1xf32>
    %max3A_1538 = arith.maximumf %div3A_1533, %max3A_1537 : vector<256x1xf32>
    %div3A_1539 = arith.constant 1.200000e-03 : f32
    %div3A_1540 = vector.broadcast %div3A_1539 : f32 to vector<256x1xf32>
    %div3A_1541 = arith.divf %div3A_1540, %max3A_1538 : vector<256x1xf32>
    %add3A_1542 = arith.constant 1.200000e-02 : f32
    %add3A_1543 = vector.broadcast %add3A_1542 : f32 to vector<256x1xf32>
    %add3A_1544 = arith.addf %div3A_1541, %add3A_1543 : vector<256x1xf32>
    %max3A_1545 = arith.constant 9.99999997E-7 : f32
    %max3A_1546 = vector.broadcast %max3A_1545 : f32 to vector<256x1xf32>
    %max3A_1547 = arith.maximumf %div3A_1535, %max3A_1546 : vector<256x1xf32>
    %div3A_1548 = arith.constant 1.200000e-03 : f32
    %div3A_1549 = vector.broadcast %div3A_1548 : f32 to vector<256x1xf32>
    %div3A_1550 = arith.divf %div3A_1549, %max3A_1547 : vector<256x1xf32>
    %add3A_1551 = arith.constant 1.200000e-02 : f32
    %add3A_1552 = vector.broadcast %add3A_1551 : f32 to vector<256x1xf32>
    %add3A_1553 = arith.addf %div3A_1550, %add3A_1552 : vector<256x1xf32>
    %mul3A_1554 = arith.mulf %get3A_1416, %get3A_1416 : vector<256x32xf32>
    %mul3A_1555 = arith.mulf %get3A_1421, %get3A_1421 : vector<256x32xf32>
    %add3A_1556 = arith.addf %mul3A_1554, %mul3A_1555 : vector<256x32xf32>
    %mul3A_1557 = arith.mulf %get3A_1426, %get3A_1426 : vector<256x32xf32>
    %add3A_1558 = arith.addf %add3A_1556, %mul3A_1557 : vector<256x32xf32>
    %add3A_1559 = arith.constant 9.99999996E-13 : f32
    %add3A_1560 = vector.broadcast %add3A_1559 : f32 to vector<256x32xf32>
    %add3A_1561 = arith.addf %add3A_1558, %add3A_1560 : vector<256x32xf32>
    %sqrt3A_1562 = math.sqrt %add3A_1561 : vector<256x32xf32>
    %eq3A_1563 = arith.constant 0.000000e+00 : f32
    %eq3A_1564 = vector.broadcast %eq3A_1563 : f32 to vector<256x32xf32>
    %eq3A_1565 = arith.cmpf oeq, %get3A_1416, %eq3A_1564 : vector<256x32xf32>
    %eq3A_1566 = arith.constant 0.000000e+00 : f32
    %eq3A_1567 = vector.broadcast %eq3A_1566 : f32 to vector<256x32xf32>
    %eq3A_1568 = arith.cmpf oeq, %get3A_1421, %eq3A_1567 : vector<256x32xf32>
    %and3A = arith.andi %eq3A_1565, %eq3A_1568 : vector<256x32xi1>
    %eq3A_1569 = arith.constant 0.000000e+00 : f32
    %eq3A_1570 = vector.broadcast %eq3A_1569 : f32 to vector<256x32xf32>
    %eq3A_1571 = arith.cmpf oeq, %get3A_1426, %eq3A_1570 : vector<256x32xf32>
    %and3A_1572 = arith.andi %and3A, %eq3A_1571 : vector<256x32xi1>
    %abs3A_1573 = math.absf %add3A_1434 : vector<256x32xf32>
    %div3A_1574 = arith.divf %abs3A_1573, %sqrt3A_1562 : vector<256x32xf32>
    %jit3A_1575 = arith.constant 0x7F800000 : f32
    %broadcast_in_dim3A_1576 = vector.broadcast %jit3A_1575 : f32 to vector<256x32xf32>
    %select_n3A_1577 = arith.select %and3A_1572, %broadcast_in_dim3A_1576, %div3A_1574 : vector<256x32xi1>, vector<256x32xf32>
    %abs3A_1578 = math.absf %add3A_1442 : vector<256x32xf32>
    %div3A_1579 = arith.divf %abs3A_1578, %sqrt3A_1562 : vector<256x32xf32>
    %jit3A_1580 = arith.constant 0x7F800000 : f32
    %broadcast_in_dim3A_1581 = vector.broadcast %jit3A_1580 : f32 to vector<256x32xf32>
    %select_n3A_1582 = arith.select %and3A_1572, %broadcast_in_dim3A_1581, %div3A_1579 : vector<256x32xi1>, vector<256x32xf32>
    %abs3A_1583 = math.absf %broadcast_in_dim3A_1470 : vector<256x1xf32>
    %add3A_1584 = arith.constant 1.000000e+00 : f32
    %add3A_1585 = vector.broadcast %add3A_1584 : f32 to vector<256x1xf32>
    %add3A_1586 = arith.addf %abs3A_1583, %add3A_1585 : vector<256x1xf32>
    %mul3A_1587 = arith.constant 5.000000e-01 : f32
    %mul3A_1588 = vector.broadcast %mul3A_1587 : f32 to vector<256x1xf32>
    %mul3A_1589 = arith.mulf %add3A_1586, %mul3A_1588 : vector<256x1xf32>
    %floor3A = math.floor %mul3A_1589 : vector<256x1xf32>
    %abs3A_1590 = math.absf %broadcast_in_dim3A_1473 : vector<256x1xf32>
    %add3A_1591 = arith.constant 1.000000e+00 : f32
    %add3A_1592 = vector.broadcast %add3A_1591 : f32 to vector<256x1xf32>
    %add3A_1593 = arith.addf %abs3A_1590, %add3A_1592 : vector<256x1xf32>
    %mul3A_1594 = arith.constant 5.000000e-01 : f32
    %mul3A_1595 = vector.broadcast %mul3A_1594 : f32 to vector<256x1xf32>
    %mul3A_1596 = arith.mulf %add3A_1593, %mul3A_1595 : vector<256x1xf32>
    %floor3A_1597 = math.floor %mul3A_1596 : vector<256x1xf32>
    %lt3A_1598 = vector.broadcast %add3A_1544 : vector<256x1xf32> to vector<256x32xf32>
    %lt3A_1599 = arith.cmpf olt, %select_n3A_1577, %lt3A_1598 : vector<256x32xf32>
    %jit3A_1600 = arith.constant 1.000000e+00 : f32
    %jit3A_1601 = arith.constant 0.000000e+00 : f32
    %broadcast_in_dim3A_1602 = vector.broadcast %jit3A_1600 : f32 to vector<256x32xf32>
    %broadcast_in_dim3A_1603 = vector.broadcast %jit3A_1601 : f32 to vector<256x32xf32>
    %select_n3A_1604 = arith.select %lt3A_1599, %broadcast_in_dim3A_1602, %broadcast_in_dim3A_1603 : vector<256x32xi1>, vector<256x32xf32>
    %reduce_sum3A_1605 = arith.constant dense<0.000000e+00> : vector<256xf32>
    %reduce_sum3A_1606 = vector.multi_reduction <add>, %select_n3A_1604, %reduce_sum3A_1605 [1] : vector<256x32xf32> to vector<256xf32>
    %broadcast_in_dim3A_1607 = vector.shape_cast %reduce_sum3A_1606 : vector<256xf32> to vector<256x1xf32>
    %lt3A_1608 = vector.broadcast %add3A_1553 : vector<256x1xf32> to vector<256x32xf32>
    %lt3A_1609 = arith.cmpf olt, %select_n3A_1582, %lt3A_1608 : vector<256x32xf32>
    %jit3A_1610 = arith.constant 1.000000e+00 : f32
    %jit3A_1611 = arith.constant 0.000000e+00 : f32
    %broadcast_in_dim3A_1612 = vector.broadcast %jit3A_1610 : f32 to vector<256x32xf32>
    %broadcast_in_dim3A_1613 = vector.broadcast %jit3A_1611 : f32 to vector<256x32xf32>
    %select_n3A_1614 = arith.select %lt3A_1609, %broadcast_in_dim3A_1612, %broadcast_in_dim3A_1613 : vector<256x32xi1>, vector<256x32xf32>
    %reduce_sum3A_1615 = arith.constant dense<0.000000e+00> : vector<256xf32>
    %reduce_sum3A_1616 = vector.multi_reduction <add>, %select_n3A_1614, %reduce_sum3A_1615 [1] : vector<256x32xf32> to vector<256xf32>
    %broadcast_in_dim3A_1617 = vector.shape_cast %reduce_sum3A_1616 : vector<256xf32> to vector<256x1xf32>
    %lt3A_1618 = arith.constant 0.00999999977 : f32
    %lt3A_1619 = vector.broadcast %lt3A_1618 : f32 to vector<256x1xf32>
    %lt3A_1620 = arith.cmpf olt, %div3A_1533, %lt3A_1619 : vector<256x1xf32>
    %lt3A_1621 = arith.constant 0.00999999977 : f32
    %lt3A_1622 = vector.broadcast %lt3A_1621 : f32 to vector<256x1xf32>
    %lt3A_1623 = arith.cmpf olt, %div3A_1535, %lt3A_1622 : vector<256x1xf32>
    %or3A = arith.ori %lt3A_1620, %lt3A_1623 : vector<256x1xi1>
    %ge3A_1624 = arith.cmpf oge, %broadcast_in_dim3A_1607, %floor3A : vector<256x1xf32>
    %or3A_1625 = arith.ori %or3A, %ge3A_1624 : vector<256x1xi1>
    %ge3A_1626 = arith.cmpf oge, %broadcast_in_dim3A_1617, %floor3A_1597 : vector<256x1xf32>
    %or3A_1627 = arith.ori %or3A_1625, %ge3A_1626 : vector<256x1xi1>
    %jit3A_1628 = arith.constant 1.000000e+00 : f32
    %jit3A_1629 = arith.constant 0.000000e+00 : f32
    %broadcast_in_dim3A_1630 = vector.broadcast %jit3A_1628 : f32 to vector<256x1xf32>
    %broadcast_in_dim3A_1631 = vector.broadcast %jit3A_1629 : f32 to vector<256x1xf32>
    %select_n3A_1632 = arith.select %or3A_1627, %broadcast_in_dim3A_1630, %broadcast_in_dim3A_1631 : vector<256x1xi1>, vector<256x1xf32>
    %swap3A_1633 = arith.constant 0 : index
    %swap3A_1634 = arith.constant 0 : index
    %swap3A_1635 = arith.constant 0 : index
    %swap3A_1636 = vector.load %arg8[%swap3A_1633, %swap3A_1634, %swap3A_1635] : memref<1x256x1xf32, #tpu.memory_space<vmem>>, vector<1x256x1xf32>
    %swap3A_1637 = vector.shape_cast %swap3A_1636 : vector<1x256x1xf32> to vector<256x1xf32>
    %swap3A_1638 = vector.shape_cast %select_n3A_1632 : vector<256x1xf32> to vector<1x256x1xf32>
    tpu.vector_store %arg8[%swap3A_1633, %swap3A_1634, %swap3A_1635], %swap3A_1638 {strides = array<i32>} : memref<1x256x1xf32, #tpu.memory_space<vmem>>, vector<1x256x1xf32>,
    return
  }
  func.func @transform_0(%arg0: i32, %arg1: i32) -> (i32, i32, i32) {
    %c0_i32 = arith.constant 0 : i32
    %c0_i32_0 = arith.constant 0 : i32
    return %arg0, %arg1, %c0_i32 : i32, i32, i32
  }
  func.func @transform_1(%arg0: i32, %arg1: i32) -> (i32, i32, i32) {
    %c0_i32 = arith.constant 0 : i32
    %c0_i32_0 = arith.constant 0 : i32
    return %arg0, %arg1, %c0_i32 : i32, i32, i32
  }
  func.func @transform_2(%arg0: i32, %arg1: i32) -> (i32, i32, i32) {
    %c0_i32 = arith.constant 0 : i32
    %c0_i32_0 = arith.constant 0 : i32
    return %arg0, %arg1, %c0_i32 : i32, i32, i32
  }
  func.func @transform_3(%arg0: i32, %arg1: i32) -> (i32, i32, i32) {
    %c0_i32 = arith.constant 0 : i32
    %c0_i32_0 = arith.constant 0 : i32
    return %arg0, %arg1, %c0_i32 : i32, i32, i32
  }
  func.func @transform_4(%arg0: i32, %arg1: i32) -> (i32, i32, i32) {
    %c0_i32 = arith.constant 0 : i32
    %c0_i32_0 = arith.constant 0 : i32
    return %arg0, %arg1, %c0_i32 : i32, i32, i32
  }
  func.func @transform_5(%arg0: i32, %arg1: i32) -> (i32, i32, i32) {
    %c0_i32 = arith.constant 0 : i32
    %c0_i32_0 = arith.constant 0 : i32
    return %arg0, %arg1, %c0_i32 : i32, i32, i32
  }
  func.func @transform_6(%arg0: i32, %arg1: i32) -> (i32, i32, i32) {
    %c0_i32 = arith.constant 0 : i32
    %c0_i32_0 = arith.constant 0 : i32
    return %arg0, %arg1, %c0_i32 : i32, i32, i32
  }
}

</mosaic_0001>

<sc_bundles>
// kernel: gather_offload_async_start
scs
__scs_entry_jumppad:
0x0: {  	(pc) =	sbr.rel $0x88, $3  }
0x1: {  	(tag) =	ssettag $0x0;
	lr =	simm.s32 $0x1  }
0x2: {  	[smem:$0x3FA0] =	sst lr;
	_ =	strace $0xD0000000  }
0x3: {  	_ = 	snop  }
0x4: {  	_ = 	snop  }
0x5: {  	_ = 	snop  }
0x6: {  	_ = 	snop  }
0x7: {  	_ = 	snop  }
__scs_overlays_trampoline_lowered:
0x8: {  	[smem:$0x3FAF] =	sst s0  }
0x9: {  	[smem:$0x3FB0] =	sst s1  }
0xa: {  	[smem:$0x3FB1] =	sst s2  }
0xb: {  	[smem:$0x3FB2] =	sst s3  }
0xc: {  	[smem:$0x3FB3] =	sst s4  }
0xd: {  	[smem:$0x3FB4] =	sst s5  }
0xe: {  	[smem:$0x3FB5] =	sst s6  }
0xf: {  	[smem:$0x3FB6] =	sst s7  }
0x10: {  	[smem:$0x3FB7] =	sst s8  }
0x11: {  	[smem:$0x3FB8] =	sst s9;
	s0 =	simm.s32 @!p0 $0x0  }
0x12: {  	s1 =	sld [smem:$0x3F9E];
	s0 =	simm.s32 @p0 $0x1  }
0x13: {  	[smem:$0x3FB9] =	sst s0;
	s0 =	simm.s32 @!p1 $0x0  }
0x14: {  	s2 =	sld [smem:$0x3F9D];
	s0 =	simm.s32 @p1 $0x1  }
0x15: {  	[smem:$0x3FBA] =	sst s0;
	s0 =	simm.s32 @!p2 $0x0  }
0x16: {  	s3 =	sld [smem:$0x3FDB];
	s0 =	simm.s32 @p2 $0x1  }
0x17: {  	s4 =	simm.s32 $0x1BF5;
	[smem:$0x3FBC] =	sst s0  }
0x18: {  	s0 =	sld [smem:$0x3F9F];
	_ =	swait.ge [sflag:s4], $0x0  }
0x19: {  	s7 =	sld [smem:$0x3FA0]  }
0x1a: {  	s8 =	sadd.s32 $0xFFFFE003, lr  }
0x1b: {  	s9 =	sadd.s32 $0xFFFFFEF7, lr;
	s5 =	simm.s32 $0xFFFFFFFF;
	p2 =	slt.u32 s8, $0xFFFFF086  }
0x1c: {  	p1 =	slt.u32 s9, $0xF7A;
	s5 =	simm.s32 @!p2 $0x0  }
0x1d: {  	s5 =	simm.s32 @p1 $0x1;
	p0 =	seq.s32 s7, s2  }
0x1e: {  	s7 =	smul.u32 @!p0 $0xF7A, s2;
	p2 =	seq.s32 @!p0 s5, $0x0  }
0x1f: {  	s9 =	smul.u32 $0xF7A, s1;
	s8 =	simm.s32 @!p0 $0x1BF5;
	p2 =	por !p2, p0  }
0x20: {  	[sflag:s8] =	ssyncset.s32 @!p0 $0xFFFFF086;
	s6 =	sadd.s32 @!p0 s3, s7;
	s7 =	simm.s32 @!p0 $0x108  }
0x21: {  	s3 =	sadd.s32 s3, s9;
	s6 =	sadd.s32 @!p0 $0x88, s6;
	s7 =	simm.s32 @p2 $0x1082  }
0x22: {  	[simem:s7], [sflag:s8] =	dma.local @!p0 [hbm:s6], $0xF7A  }
0x23: {  	s9 =	sor.u32 $0xD0000000, s2;
	s6 =	simm.s32 $0x108;
	_ =	swait.ge @!p0 [sflag:s8], $0x0  }
0x24: {  	s3 =	sadd.s32 $0x88, s3;
	s6 =	simm.s32 @!p1 $0x1082;
	[sflag:s4] =	ssyncset.s32 $0xFFFFF086  }
0x25: {  	[simem:s6], [sflag:s4] =	dma.local [hbm:s3], $0xF7A  }
0x26: {  	[smem:$0x3FA0] =	sst s1;
	(tag) =	ssettag s2;
	_ =	strace s9  }
0x27: {  	s1 =	sld [smem:$0x3FB0]  }
0x28: {  	s2 =	sld [smem:$0x3FB1]  }
0x29: {  	s4 =	sld [smem:$0x3FB3]  }
0x2a: {  	p0 =	seq.s32 s5, $0x0;
	s5 =	sld [smem:$0x3FB4]  }
0x2b: {  	s6 =	sld [smem:$0x3FB5]  }
0x2c: {  	s7 =	sld [smem:$0x3FB6]  }
0x2d: {  	s3 =	simm.s32 $0x108;
	s8 =	sld [smem:$0x3FB7]  }
0x2e: {  	s3 =	simm.s32 @!p0 $0x1082;
	s9 =	sld [smem:$0x3FB8]  }
0x2f: {  	lr =	sadd.s32 s0, s3;
	s0 =	sld [smem:$0x3FAF]  }
0x30: {  	s3 =	sld [smem:$0x3FB2]  }
0x31: {  	[smem:$0x3FBB] =	sst s10  }
0x32: {  	s10 =	sld [smem:$0x3FB9];
	_ =	sdelay $0x3  }
0x33: {  	p0 =	seq.s32 s10, $0x1;
	s10 =	sld [smem:$0x3FBB];
	_ =	sdelay $0x3  }
0x34: {  	[smem:$0x3FBB] =	sst s10  }
0x35: {  	s10 =	sld [smem:$0x3FBA];
	_ =	sdelay $0x3  }
0x36: {  	p1 =	seq.s32 s10, $0x1;
	s10 =	sld [smem:$0x3FBB];
	_ =	sdelay $0x3  }
0x37: {  	[smem:$0x3FBB] =	sst s10  }
0x38: {  	s10 =	sld [smem:$0x3FBC]  }
0x39: {  	_ = 	snop;
	(pc) =	sbr.ind lr, $3  }
0x3a: {  	_ = 	snop  }
0x3b: {  	_ = 	snop  }
0x3c: {  	p2 =	seq.s32 s10, $0x1;
	s10 =	sld [smem:$0x3FBB]  }
0x3d: {  	_ =	shalt  }
0x3e: {  	_ =	shalt  }
0x3f: {  	_ =	shalt  }
0x40: {  	_ =	shalt  }
0x41: {  	_ =	shalt  }
0x42: {  	_ =	shalt  }
0x43: {  	_ =	shalt  }
0x44: {  	_ =	shalt  }
0x45: {  	_ =	shalt  }
0x46: {  	_ =	shalt  }
0x47: {  	_ =	shalt  }
0x48: {  	_ =	shalt  }
0x49: {  	_ =	shalt  }
0x4a: {  	_ =	shalt  }
0x4b: {  	_ =	shalt  }
0x4c: {  	_ =	shalt  }
0x4d: {  	_ =	shalt  }
0x4e: {  	_ =	shalt  }
0x4f: {  	_ =	shalt  }
0x50: {  	_ =	shalt  }
0x51: {  	_ =	shalt  }
0x52: {  	_ =	shalt  }
0x53: {  	_ =	shalt  }
0x54: {  	_ =	shalt  }
0x55: {  	_ =	shalt  }
0x56: {  	_ =	shalt  }
0x57: {  	_ =	shalt  }
0x58: {  	_ =	shalt  }
0x59: {  	_ =	shalt  }
0x5a: {  	_ =	shalt  }
0x5b: {  	_ =	shalt  }
0x5c: {  	_ =	shalt  }
0x5d: {  	_ =	shalt  }
0x5e: {  	_ =	shalt  }
0x5f: {  	_ =	shalt  }
0x60: {  	_ =	shalt  }
0x61: {  	_ =	shalt  }
0x62: {  	_ =	shalt  }
0x63: {  	_ =	shalt  }
0x64: {  	_ =	shalt  }
0x65: {  	_ =	shalt  }
0x66: {  	_ =	shalt  }
0x67: {  	_ =	shalt  }
0x68: {  	_ =	shalt  }
0x69: {  	_ =	shalt  }
0x6a: {  	_ =	shalt  }
0x6b: {  	_ =	shalt  }
0x6c: {  	_ =	shalt  }
0x6d: {  	_ =	shalt  }
0x6e: {  	_ =	shalt  }
0x6f: {  	_ =	shalt  }
0x70: {  	_ =	shalt  }
0x71: {  	_ =	shalt  }
0x72: {  	_ =	shalt  }
0x73: {  	_ =	shalt  }
0x74: {  	_ =	shalt  }
0x75: {  	_ =	shalt  }
0x76: {  	_ =	shalt  }
0x77: {  	_ =	shalt  }
0x78: {  	_ =	shalt  }
0x79: {  	_ =	shalt  }
0x7a: {  	_ =	shalt  }
0x7b: {  	_ =	shalt  }
0x7c: {  	_ =	shalt  }
0x7d: {  	_ =	shalt  }
0x7e: {  	_ =	shalt  }
0x7f: {  	_ =	shalt  }
0x80: {  	_ =	shalt  }
0x81: {  	_ =	shalt  }
0x82: {  	_ =	shalt  }
0x83: {  	_ =	shalt  }
0x84: {  	_ =	shalt  }
0x85: {  	_ =	shalt  }
0x86: {  	_ =	shalt  }
0x87: {  	_ =	shalt  }
.Lfunc_end0:
.L_simem_size_0:
called_computation_lowered:
.L_overlay_start_0:
0x88: {  	s2 =	sld [smem:$0x3FD9]  }
0x89: {  	s3 =	sld [smem:$0x3FFE];
	_ =	sdelay $0x1  }
0x8a: {  	s1 =	srdreg.scid  }
0x8b: {  	s0 =	sand.u32 $0x1, s1  }
0x8c: {  	s17 =	sshll.u32 s0, $0xA;
	s2 =	sadd.s32 s3, s2  }
0x8d: {  	s2 =	sadd.s32 s2, s17  }
0x8e: {  	[smem:$0x3FC7] =	sst s2  }
0x8f: {  	_ = 	snop  }
0x90: {  	s2 =	sld [smem:$0x3FD0];
	(tm) =	ssettm $0x1  }
0x91: {  	s18 =	sld [smem:$0x3FFB];
	_ =	sdelay $0x3  }
0x92: {  	_ =	strace s18  }
0x93: {  	s3 =	sld [smem:$0x3FFC];
	_ =	sdelay $0x3  }
0x94: {  	_ =	strace s3  }
0x95: {  	s3 =	sld [smem:$0x3FFD];
	_ =	sdelay $0x3  }
0x96: {  	_ =	strace s3  }
0x97: {  	_ =	strace $0x8FFFFFFF  }
0x98: {  	s19 =	sld [smem:$0x3FDB];
	_ =	sdelay $0x1  }
0x99: {  	s4 =	simm.s32 $_scs_section_size  }
0x9a: {  	s5 =	simm.s32 $_size__tile_overlayer_lowered;
	s6 =	simm.s32 $_tile_overlayer_lowered  }
0x9b: {  	s22 =	simm.s32 $0x1BFF;
	s21 =	sshll.u32 s6, $0x1;
	s3 =	sadd.s32 s4, s19  }
0x9c: {  	s7 =	simm.s32 $0x0;
	s20 =	sshll.u32 s5, $0x1;
	s5 =	sadd.s32 s21, s3  }
0x9d: {  	[timem:s7], [sflag:s22] =	dma.local [hbm:s5], s20  }
0x9e: {  	_ =	swait.ge [sflag:s22], s20  }
0x9f: {  	s4 =	ssub.s32 $0x0, s20;
	[sflag:s22] =	ssyncset.done $0x0  }
0xa0: {  	[sflag:s22] =	ssyncadd.s32 s4;
	_ =	sdelay $0x1  }
0xa1: {  	s23 =	simm.s32 $0x1B8B  }
0xa2: {  	_ =	swait.ge [sflag:s23], $0x1  }
0xa3: {  	[sflag:s23] =	ssyncset.done $0x0  }
0xa4: {  	s25 =	simm.s32 $0x1B8E;
	s24 =	sld [smem:$0x3FFE];
	[sflag:s23] =	ssyncadd.s32 $0xFFFFFFFF  }
0xa5: {  	s26 =	simm.s32 $execute0_lowered;
	[smem:$0x3FD2] =	sst s25  }
0xa6: {  	s5 =	sshll.u32 s26, $0x1;
	_ =	strace $0x80000046;
	[dreg:$0x1] =	wrdreg $0xFFFFFFFF  }
0xa7: {  	s28 =	simm.s32 $_size_execute0_lowered;
	s3 =	sadd.s32 s3, s5;
	[dreg:$0x0] =	wrdreg $0x0  }
0xa8: {  	s5 =	sshll.u32 s28, $0x1;
	[dreg:$0x2] =	wrdreg s3  }
0xa9: {  	[dreg:$0x3] =	wrdreg s5  }
0xaa: {  	[dreg:$0x4] =	wrdreg $0xC0  }
0xab: {  	_ =	task [dreg:s7], $0x5FFFF  }
0xac: {  	[dreg:$0x1] =	wrdreg $0xFFFFFFFF  }
0xad: {  	[dreg:$0x0] =	wrdreg $0x60  }
0xae: {  	[dreg:$0x2] =	wrdreg s24  }
0xaf: {  	[dreg:$0x3] =	wrdreg s2  }
0xb0: {  	[dreg:$0x4] =	wrdreg $0x9  }
0xb1: {  	_ =	task.clear_ibuf [dreg:s7], $0x5FFFF;
	_ =	strace $0x90000046  }
0xb2: {  	s29 =	simm.s32 $0x9;
	_ =	strace $0x80000048  }
0xb3: {  	_ =	swait.ge [sflag:s29], $0x1  }
0xb4: {  	[sflag:s29] =	ssyncadd.s32 $0xFFFFFFFF  }
0xb5: {  	_ =	strace $0x90000048  }
0xb6: {  	_ =	sfence  }
0xb7: {  	s30 =	sld [smem:$0x0];
	_ =	sdelay $0x2  }
0xb8: {  	s31 =	sshll.u32 s1, $0xD;
	s1 =	sshrl.u32 s1, $0x2  }
0xb9: {  	s3 =	sand.u32 $0x4000, s31;
	s1 =	sadd.s32 s1, s30  }
0xba: {  	s0 =	sor.u32 s3, s0;
	s1 =	sshll.u32 s1, $0x11  }
0xbb: {  	s0 =	sor.u32 s1, s0  }
0xbc: {  	s0 =	sadd.s32 $0x8F2B, s0  }
0xbd: {  	[sflag:s0] =	ssyncadd.remote.s32 $0x1  }
0xbe: {  	_ =	sfence.sel $0xFFFF  }
0xbf: {  	[dreg:$0x0] =	wrdreg $0xFFFFFFFF;
	(pc) =	sbr.abs _section_cstart, $3  }
0xc0: {  	[dreg:$0x1] =	wrdreg $0xFFFFFFFF  }
0xc1: {  	_ =	task.clear_ibuf [dreg:s7], $0x2FFFF;
	_ =	strace $0x9FFFFFFF  }
0xc2: {  	(tm) =	ssettm $0x7FFFFFFF  }
0xc3: {  	_ =	shalt  }
tec
execute0_lowered:
.L_overlay_start_1:
0x0: {  	(tag) =	ssettag $0x1  }
0x1: {  	s7 =	rddreg [dreg:$0x0]  }
0x2: {  	s0 =	srdreg.scid;
	s2 =	rddreg [dreg:$0x1]  }
0x3: {  	s1 =	stileid.u32;
	s5 =	simm.s32 $0x2;
	s9 =	simm.s32 $0x3  }
0x4: {  	s3 =	sshll.u32 s0, $0x4;
	s0 =	rddreg [dreg:$0x2];
	_ =	strace $0x80000047  }
.Ltmp0:
0x5: {  	s4 =	sand.u32 $0x10, s3;
	s3 =	simm.s32 $0x1;
	(pc) =	sbr.rel .LBB2_1-.Ltmp0, $4  }
0x6: {  	s11 =	simm.s32 $0x0;
	s4 =	sor.u32 s1, s4;
	[sflag:s3] =	ssyncpa.u1 $0x0  }
0x7: {  	p0 =	por $0x0, $0x0;
	s4 =	smul.u32 $0x140, s4;
	[sflag:s5] =	ssyncpa.u1 $0x0  }
0x8: {  	s6 =	sadd.s32 $0x380000, s7;
	s7 =	sadd.s32 $0x80600, s7;
	[sflag:s9] =	ssyncpa.u1 $0x0  }
0x9: {  	vm0 =	vmmov $0xffff;
	s9 =	simm.s32 $0x0;
	s8 =	sadd.s32 $0x140, s4;
	s10 =	smov.u32 s4  }
.LBB2_6:
0xa: {  	[hbm:s15] =	stream.linear.scatter [tilespmem:s12], [sflag:$0x3], $0x200, $0x38;
	[tilespmem:$0x140A0] =	vst v63  }
.LBB2_7:
0xb: {  	p1 =	slt.u32 s9, $0x2;
	s11 =	sadd.s32 $0x50, s10  }
0xc: {  	s13 =	smov.u32 s4;
	s9 =	sadd.s32 $0x1, s9;
	p2 =	slt.s32 s11, s8  }
0xd: {  	s13 =	smov.u32 @p2 s11;
	p2 =	sne.s32 s9, $0x6  }
.Ltmp1:
0xe: {  	_ = 	snop;
	(pc) =	sbr.rel @!p2 .LBB2_8-.Ltmp1, $4  }
0xf: {  	s12 =	simm.s32 @!p1 $0x3  }
0x10: {  	_ =	swait.ge @!p1 [sflag:s12], $0xA000  }
0x11: {  	p0 =	por !p0, !p0;
	[sflag:s12] =	ssyncset.done @!p1 $0x0  }
0x12: {  	s11 =	smov.u32 s10;
	s10 =	smov.u32 s13;
	[sflag:s12] =	ssyncadd.s32 @!p1 $0xFFFF6000  }
.LBB2_1:
0x13: {  	p1 =	sgt.u32 s9, $0x3  }
0x14: {  	s12 =	sxor.u32 @!p1 $0xFFFFFFFF, s9  }
0x15: {  	s12 =	sand.u32 @!p1 $0x1, s12  }
0x16: {  	s12 =	smul.u32 @!p1 $0x140, s12  }
0x17: {  	s31 =	sadd.s32 $0xFFFFFFFF, s9;
	s13 =	sshrl.u32 @!p1 s10, $0x3  }
0x18: {  	s14 =	sand.u32 @!p1 $0x7, s10;
	s13 =	sadd.s32 @!p1 s2, s13;
	s12 =	sshrl.u32 @!p1 s12, $0x2  }
0x19: {  	[tilespmem:s12], [sflag:$0x2] =	stream.linear.gather @!p1 [hbm4b:s13+s14], $0x50, $0x38;
	[tilespmem:$0x140A0] =	vst v63  }
0x1a: {  	p1 =	sgt.u32 s31, $0x3  }
.Ltmp2:
0x1b: {  	_ = 	snop;
	(pc) =	sbr.rel @p1 .LBB2_7-.Ltmp2, $1  }
0x1c: {  	_ =	sdelay $0x3  }
0x1d: {  	s12 =	simm.s32 $0x1  }
0x1e: {  	s12 =	simm.s32 @!p0 $0x0  }
0x1f: {  	s13 =	smul.u32 $0x140, s12  }
0x20: {  	_ =	swait.ge [sflag:s5], $0x50  }
0x21: {  	[sflag:s5] =	ssyncset.done $0x0;
	s13 =	sshrl.u32 s13, $0x2  }
0x22: {  	[sflag:s5] =	ssyncadd.s32 $0xFFFFFFB0;
	s14 =	sadd.s32 $0x0, s13  }
0x23: {  	v0 =	vld.msk [tilespmem:s14+$0x0 ss:$0x1], $0xffff;
	_ =	sdelay $0x4  }
0x24: {  	vm1 =	vgt.s32 v0, $0x0  }
0x25: {  	v0 =	vnsel vm1, $0x0, v0  }
0x26: {  	v0 =	vmin.u32 v0, $0x7FFF  }
0x27: {  	v0 =	vshll.u32 v0, $0x6  }
0x28: {  	s12 =	smul.u32 $0x28000, s12;
	_ =	sdelay $0x1  }
0x29: {  	s12 =	sshrl.u32 s12, $0x2  }
0x2a: {  	s12 =	sor.u32 $0xA0, s12;
	s31 =	sadd.s32 $0x10, s13  }
0x2b: {  	[tilespmem:s12], [sflag:$0x1] =	stream.indirect_vreg.gather [hbm:s6], $0x200, v0, vm0, $0x38;
	[tilespmem:$0x140A0] =	vst v63  }
0x2c: {  	s15 =	simm.s32 $0x80;
	s14 =	smov.u32 s12;
	v0 =	vld.msk [tilespmem:s31+$0x0 ss:$0x1], $0xffff  }
.LBB2_3:
0x2d: {  	p1 =	sne.s32 s15, $0x100;
	_ =	sdelay $0x4  }
0x2e: {  	vm1 =	vgt.s32 v0, $0x0  }
0x2f: {  	v0 =	vnsel vm1, $0x0, v0  }
0x30: {  	v0 =	vmin.u32 v0, $0x7FFF  }
0x31: {  	v0 =	vshll.u32 v0, $0x6;
	_ =	sdelay $0x1  }
.Ltmp3:
0x32: {  	(pc) =	sbr.rel @p1 .LBB2_3-.Ltmp3, $4  }
0x33: {  	s16 =	sshra.s32 s15, $0x2  }
0x34: {  	s14 =	sadd.s32 $0x2000, s14;
	s16 =	sadd.s32 s16, s13  }
0x35: {  	[tilespmem:s14], [sflag:$0x1] =	stream.indirect_vreg.gather [hbm:s6], $0x200, v0, vm0, $0x38;
	[tilespmem:$0x140A0] =	vst v63  }
0x36: {  	s15 =	sadd.s32 $0x40, s15;
	v0 =	vld.msk [tilespmem:s16+$0x0 ss:$0x1], $0xffff  }
0x37: {  	_ =	sdelay $0x3  }
0x38: {  	vm1 =	vgt.s32 v0, $0x0  }
0x39: {  	v0 =	vnsel vm1, $0x0, v0  }
0x3a: {  	v0 =	vmin.u32 v0, $0x7FFF  }
0x3b: {  	v0 =	vshll.u32 v0, $0x6;
	_ =	sdelay $0x3  }
0x3c: {  	s13 =	sadd.s32 $0x2000, s14  }
0x3d: {  	[tilespmem:s13], [sflag:$0x1] =	stream.indirect_vreg.gather [hbm:s6], $0x200, v0, vm0, $0x38;
	[tilespmem:$0x140A0] =	vst v63  }
0x3e: {  	s11 =	sshll.u32 s11, $0x6;
	_ =	swait.ge [sflag:s3], $0xA000  }
0x3f: {  	s14 =	sadd.s32 $0x200, s12;
	s11 =	sadd.s32 s11, s7;
	[sflag:s3] =	ssyncset.done $0x0  }
0x40: {  	s15 =	sadd.s32 $0x0, s11;
	s13 =	simm.s32 $0x40;
	[sflag:s3] =	ssyncadd.s32 $0xFFFF6000  }
.LBB2_5:
0x41: {  	[hbm:s15] =	stream.linear.scatter [tilespmem:s12], [sflag:$0x3], $0x200, $0x38;
	[tilespmem:$0x140A0] =	vst v63  }
0x42: {  	s15 =	smov.u32 s13;
	s12 =	smov.u32 s14;
	p1 =	sne.s32 s13, $0x13C0  }
.Ltmp4:
0x43: {  	s13 =	sadd.s32 $0x40, s13;
	(pc) =	sbr.rel @p1 .LBB2_5-.Ltmp4, $2  }
0x44: {  	_ =	sdelay $0x2  }
0x45: {  	s14 =	sadd.s32 $0x200, s14;
	s15 =	sadd.s32 s15, s11  }
.Ltmp5:
0x46: {  	_ = 	snop;
	(pc) =	sbr.rel .LBB2_6-.Ltmp5, $1  }
0x47: {  	_ =	sdelay $0x3  }
.LBB2_8:
0x48: {  	_ =	sfence.sel $0x180000  }
0x49: {  	s2 =	simm.s32 $0x2;
	[bflag:$0x0] =	sbarrier.arrive $0xFFFF  }
0x4a: {  	s30 =	simm.s32 $0x3;
	[sflag:s2] =	ssyncpa.u1 $0x1  }
0x4b: {  	s31 =	simm.s32 $0x1;
	[sflag:s30] =	ssyncpa.u1 $0x1  }
0x4c: {  	[sflag:s31] =	ssyncpa.u1 $0x1  }
0x4d: {  	p0 =	sne.s32 s1, $0x0;
	_ =	strace $0x90000047  }
0x4e: {  	s0 =	sadd.s32 @!p0 $0x100000, s0;
	[bflag:$0x2] =	sbarrier.arrive $0xFFFF  }
0x4f: {  	[sflag:s0] =	ssyncadd.tile.s32 @!p0 $0x1;
	_ =	shalt  }
.Lfunc_end2:
_tile_overlayer_lowered:
.L_overlay_start_2:
0x50: {  	(tag) =	ssettag $0x2  }
0x51: {  	s0 =	rddreg [dreg:$0x0];
	s2 =	stileid.u32  }
0x52: {  	s1 =	rddreg [dreg:$0x1];
	p0 =	sne.s32 s2, $0x0  }
0x53: {  	s3 =	rddreg [dreg:$0x2];
	[bflag:$0x3] =	sbarrier.arrive $0xFFFF;
	s2 =	simm.s32 @!p0 $0x1C01  }
0x54: {  	[timem:s3], [sflag:s2] =	dma.local @!p0 [hbm:s0], s1  }
0x55: {  	s0 =	simm.s32 @!p0 $0x1  }
0x56: {  	_ =	swait.ge @!p0 [sflag:s0], s1  }
0x57: {  	s1 =	ssub.s32 @!p0 $0x0, s1;
	[sflag:s0] =	ssyncset.done @!p0 $0x0  }
0x58: {  	[sflag:s0] =	ssyncadd.s32 @!p0 s1  }
0x59: {  	[bflag:$0x3] =	sbarrier.arrive $0xFFFF  }
0x5a: {  	_ =	shalt  }

</sc_bundles>
